<compile_context>
chip_gen: v7x
topology: tpu7x:2x2x1
jax: 0.10.2.dev20260603
libtpu: 0.0.44.dev20260713+nightly
codegen_flags: <defaults>
</compile_context>

<pallas_src>
import functools

import jax
import jax.numpy as jnp
from jax import lax
from jax.experimental import pallas as pl
from jax.experimental.pallas import tpu as pltpu
from jax.experimental.pallas import tpu_sc as plsc

VOCAB = 100000
EMBED_DIM = 64
BATCH = 4096
SEQ = 50
TOK = BATCH * SEQ
OUT_ROWS = TOK * EMBED_DIM // 128

_info = plsc.get_sparse_core_info()
NC, NS = _info.num_cores, _info.num_subcores
NW = NC * NS
BPW = BATCH // NW
BCH = 8
NCH = BPW // BCH
CHTOK = BCH * SEQ
SROWS = CHTOK * EMBED_DIM // 128
NSLOT = 4

_mesh = plsc.VectorSubcoreMesh(core_axis_name="c", subcore_axis_name="s")


@functools.partial(
    pl.kernel,
    mesh=_mesh,
    compiler_params=pltpu.CompilerParams(use_tc_tiling_on_sc=False),
    out_type=jax.ShapeDtypeStruct((OUT_ROWS, 128), jnp.float32),
    scratch_types=[
        pltpu.VMEM((2, NCH, SROWS), jnp.int32),
        pltpu.VMEM((NSLOT, 2, SROWS, EMBED_DIM), jnp.float32),
        pltpu.SemaphoreType.DMA,
        pltpu.SemaphoreType.DMA,
        pltpu.SemaphoreType.DMA,
        pltpu.SemaphoreType.DMA,
        pltpu.SemaphoreType.DMA,
        pltpu.SemaphoreType.DMA,
        pltpu.SemaphoreType.DMA,
        pltpu.SemaphoreType.DMA,
    ],
)
def _lookup(idx_hbm, table_hbm, out_hbm, idx_v, rows_v,
            g0, g1, g2, g3, s0, s1, s2, s3):
    wid = lax.axis_index("s") * NC + lax.axis_index("c")
    base = wid * BPW
    for par in range(2):
        pltpu.sync_copy(idx_hbm.at[par, wid], idx_v.at[par])
    gsem = (g0, g1, g2, g3)
    ssem = (s0, s1, s2, s3)

    def start_g(j, b):
        for par in range(2):
            pltpu.async_copy(
                table_hbm.at[idx_v.at[par, j]],
                rows_v.at[b, par],
                gsem[b],
            )

    def wait_g(j, b):
        for par in range(2):
            pltpu.make_async_copy(
                table_hbm.at[idx_v.at[par, j]],
                rows_v.at[b, par],
                gsem[b],
            ).wait()

    def _s_refs(j, b, par):
        r0 = (base + j * BCH) * SEQ * EMBED_DIM // 128
        return (
            rows_v.at[b, par],
            out_hbm.at[pl.ds(r0, SROWS), pl.ds(par * EMBED_DIM, EMBED_DIM)],
        )

    def start_s(j, b):
        for par in range(2):
            src, dst = _s_refs(j, b, par)
            pltpu.async_copy(src, dst, ssem[b])

    def wait_s(j, b):
        for par in range(2):
            src, dst = _s_refs(j, b, par)
            pltpu.make_async_copy(src, dst, ssem[b]).wait()

    for b in range(NSLOT):
        start_g(b, b)

    def body(i, carry):
        j0 = NSLOT * i
        for b in range(NSLOT):
            j = j0 + b
            wait_g(j, b)
            start_s(j, b)
        for b in range(NSLOT):
            j = j0 + b
            wait_s(j, b)

            @pl.when(j + NSLOT < NCH)
            def _():
                start_g(j + NSLOT, b)

        return carry

    lax.fori_loop(0, NCH // NSLOT, body, 0)


def kernel(sentence, table):
    idx = sentence.reshape(NW, NCH, SROWS, 2).transpose(3, 0, 1, 2)
    out = _lookup(idx, table)
    return out.reshape(BATCH, SEQ, EMBED_DIM)

# --- scband reference (transcript-rebuilt; emitter-appended) ---
"""Pipeline reference for scband-vanilla-word-embedding-lookup-56839597195482 (READ-ONLY COPY).

The authoritative reference and input builder live on the scoring server;
editing this copy changes nothing except your own understanding.
"""

import jax, jax.numpy as jnp
import numpy as np

VOCAB = 100000
EMBED_DIM = 64
BATCH = 4096
SEQ = 50

def setup_inputs(seed: int = 0) -> dict:
    key = jax.random.key(seed)
    k1, k2 = jax.random.split(key)
    sentence = jax.random.randint(k1, (BATCH, SEQ), 0, VOCAB, dtype=jnp.int64 if jax.config.jax_enable_x64 else jnp.int32)
    table = jax.random.normal(k2, (VOCAB, EMBED_DIM), dtype=jnp.float32)
    return {"sentence": sentence, "table": table}

def reference(sentence, table):
    # VanillaWordEmbeddingLookup: maps each token index to its embedding row.
    # The original loops per-token appending nn.Embedding(v); vectorized this is a gather.
    embeds = jnp.take(table, sentence, axis=0)  # [B, L, D]
    return embeds

if __name__ == "__main__":
    import jax
    _d = setup_inputs()
    print(jax.jit(kernel)(*tuple(_d.values())))

</pallas_src>

<mosaic_0001>
#map = affine_map<(d0, d1) -> (0, 0, 0, 0)>
#map1 = affine_map<(d0, d1) -> (0, 0)>
module attributes {stable_mosaic.version = 14 : i64} {
  func.func @_lookup(%arg0: i32, %arg1: i32, %arg2: memref<2x32x16x200xi32, #tpu.memory_space<hbm>>, %arg3: memref<100000x64xf32, #tpu.memory_space<hbm>>, %arg4: memref<102400x128xf32, #tpu.memory_space<hbm>>, %arg5: memref<2x16x200xi32, #tpu.memory_space<vmem>>, %arg6: memref<4x2x200x64xf32, #tpu.memory_space<vmem>>, %arg7: memref<!tpu.dma_semaphore, #tpu.memory_space<semaphore_mem>>, %arg8: memref<!tpu.dma_semaphore, #tpu.memory_space<semaphore_mem>>, %arg9: memref<!tpu.dma_semaphore, #tpu.memory_space<semaphore_mem>>, %arg10: memref<!tpu.dma_semaphore, #tpu.memory_space<semaphore_mem>>, %arg11: memref<!tpu.dma_semaphore, #tpu.memory_space<semaphore_mem>>, %arg12: memref<!tpu.dma_semaphore, #tpu.memory_space<semaphore_mem>>, %arg13: memref<!tpu.dma_semaphore, #tpu.memory_space<semaphore_mem>>, %arg14: memref<!tpu.dma_semaphore, #tpu.memory_space<semaphore_mem>>) attributes {dimension_semantics = [#tpu.dimension_semantics<core_parallel>, #tpu.dimension_semantics<subcore_parallel>], iteration_bounds = array<i64: 2, 16>, scalar_prefetch = 0 : i64, scratch_operands = 10 : i64, tpu.core_type = #tpu.core_type<sc_vector_subcore>, window_params = [{transform_indices = #map}, {transform_indices = #map1}, {transform_indices = #map1}]} {
    %mul3A = arith.constant 2 : i32
    %mul3A_0 = arith.muli %arg1, %mul3A : i32
    %add3A = arith.addi %mul3A_0, %arg0 : i32
    %mul3A_1 = arith.constant 128 : i32
    %mul3A_2 = arith.muli %add3A, %mul3A_1 : i32
    %run_scoped3A = arith.constant 0 : i32
    %run_scoped3A_3 = arith.constant 0 : i32
    "tpu.region"() ({
      %run_scoped3A_122 = tpu.sem_alloc : memref<!tpu.dma_semaphore, #tpu.memory_space<semaphore_mem>>
      %dma_start3A_123 = arith.constant 0 : i32
      %dma_start3A_124 = arith.constant 0 : i32
      %dma_start3A_125 = tpu.memref_slice %arg5[%run_scoped3A_3, %dma_start3A_123, %dma_start3A_124] : memref<2x16x200xi32, #tpu.memory_space<vmem>> -> memref<1x16x200xi32, #tpu.memory_space<vmem>>
      %dma_start3A_126 = tpu.memref_squeeze %dma_start3A_125 : memref<1x16x200xi32, #tpu.memory_space<vmem>> -> memref<16x200xi32, #tpu.memory_space<vmem>>
      %dma_start3A_127 = arith.constant 0 : i32
      %dma_start3A_128 = arith.constant 0 : i32
      %dma_start3A_129 = tpu.memref_slice %arg2[%run_scoped3A, %add3A, %dma_start3A_127, %dma_start3A_128] : memref<2x32x16x200xi32, #tpu.memory_space<hbm>> -> memref<1x1x16x200xi32, #tpu.memory_space<hbm>>
      %dma_start3A_130 = tpu.memref_squeeze %dma_start3A_129 : memref<1x1x16x200xi32, #tpu.memory_space<hbm>> -> memref<16x200xi32, #tpu.memory_space<hbm>>
      %dma_start3A_131 = arith.constant 0 : i32
      %dma_start3A_132 = arith.constant 0 : i32
      %dma_start3A_133 = tpu.memref_slice %arg5[%run_scoped3A_3, %dma_start3A_131, %dma_start3A_132] : memref<2x16x200xi32, #tpu.memory_space<vmem>> -> memref<1x16x200xi32, #tpu.memory_space<vmem>>
      %dma_start3A_134 = tpu.memref_squeeze %dma_start3A_133 : memref<1x16x200xi32, #tpu.memory_space<vmem>> -> memref<16x200xi32, #tpu.memory_space<vmem>>
      %dma_start3A_135 = arith.constant 0 : i32
      %dma_start3A_136 = arith.constant 0 : i32
      %dma_start3A_137 = tpu.memref_slice %arg2[%run_scoped3A, %add3A, %dma_start3A_135, %dma_start3A_136] : memref<2x32x16x200xi32, #tpu.memory_space<hbm>> -> memref<1x1x16x200xi32, #tpu.memory_space<hbm>>
      %dma_start3A_138 = tpu.memref_squeeze %dma_start3A_137 : memref<1x1x16x200xi32, #tpu.memory_space<hbm>> -> memref<16x200xi32, #tpu.memory_space<hbm>>
      tpu.enqueue_dma source(%dma_start3A_138 : memref<16x200xi32, #tpu.memory_space<hbm>>) target(%dma_start3A_134 : memref<16x200xi32, #tpu.memory_space<vmem>>) target_semaphore(%run_scoped3A_122 : memref<!tpu.dma_semaphore, #tpu.memory_space<semaphore_mem>>)
      %dma_wait3A = arith.constant 0 : i32
      %dma_wait3A_139 = arith.constant 0 : i32
      %dma_wait3A_140 = tpu.memref_slice %arg5[%run_scoped3A_3, %dma_wait3A, %dma_wait3A_139] : memref<2x16x200xi32, #tpu.memory_space<vmem>> -> memref<1x16x200xi32, #tpu.memory_space<vmem>>
      %dma_wait3A_141 = tpu.memref_squeeze %dma_wait3A_140 : memref<1x16x200xi32, #tpu.memory_space<vmem>> -> memref<16x200xi32, #tpu.memory_space<vmem>>
      %dma_wait3A_142 = arith.constant 0 : i32
      %dma_wait3A_143 = arith.constant 0 : i32
      %dma_wait3A_144 = tpu.memref_slice %arg2[%run_scoped3A, %add3A, %dma_wait3A_142, %dma_wait3A_143] : memref<2x32x16x200xi32, #tpu.memory_space<hbm>> -> memref<1x1x16x200xi32, #tpu.memory_space<hbm>>
      %dma_wait3A_145 = tpu.memref_squeeze %dma_wait3A_144 : memref<1x1x16x200xi32, #tpu.memory_space<hbm>> -> memref<16x200xi32, #tpu.memory_space<hbm>>
      %dma_wait3A_146 = arith.constant 0 : i32
      %dma_wait3A_147 = arith.constant 0 : i32
      %dma_wait3A_148 = tpu.memref_slice %arg5[%run_scoped3A_3, %dma_wait3A_146, %dma_wait3A_147] : memref<2x16x200xi32, #tpu.memory_space<vmem>> -> memref<1x16x200xi32, #tpu.memory_space<vmem>>
      %dma_wait3A_149 = tpu.memref_squeeze %dma_wait3A_148 : memref<1x16x200xi32, #tpu.memory_space<vmem>> -> memref<16x200xi32, #tpu.memory_space<vmem>>
      %dma_wait3A_150 = arith.constant 0 : i32
      %dma_wait3A_151 = arith.constant 0 : i32
      %dma_wait3A_152 = tpu.memref_slice %arg2[%run_scoped3A, %add3A, %dma_wait3A_150, %dma_wait3A_151] : memref<2x32x16x200xi32, #tpu.memory_space<hbm>> -> memref<1x1x16x200xi32, #tpu.memory_space<hbm>>
      %dma_wait3A_153 = tpu.memref_squeeze %dma_wait3A_152 : memref<1x1x16x200xi32, #tpu.memory_space<hbm>> -> memref<16x200xi32, #tpu.memory_space<hbm>>
      tpu.wait_dma2 semaphore(%run_scoped3A_122 : memref<!tpu.dma_semaphore, #tpu.memory_space<semaphore_mem>>) src(%dma_wait3A_153 : memref<16x200xi32, #tpu.memory_space<hbm>>) dst(%dma_wait3A_149 : memref<16x200xi32, #tpu.memory_space<vmem>>)
      tpu.yield
    }) : () -> ()
    %run_scoped3A_4 = arith.constant 1 : i32
    %run_scoped3A_5 = arith.constant 1 : i32
    "tpu.region"() ({
      %run_scoped3A_122 = tpu.sem_alloc : memref<!tpu.dma_semaphore, #tpu.memory_space<semaphore_mem>>
      %dma_start3A_123 = arith.constant 0 : i32
      %dma_start3A_124 = arith.constant 0 : i32
      %dma_start3A_125 = tpu.memref_slice %arg5[%run_scoped3A_5, %dma_start3A_123, %dma_start3A_124] : memref<2x16x200xi32, #tpu.memory_space<vmem>> -> memref<1x16x200xi32, #tpu.memory_space<vmem>>
      %dma_start3A_126 = tpu.memref_squeeze %dma_start3A_125 : memref<1x16x200xi32, #tpu.memory_space<vmem>> -> memref<16x200xi32, #tpu.memory_space<vmem>>
      %dma_start3A_127 = arith.constant 0 : i32
      %dma_start3A_128 = arith.constant 0 : i32
      %dma_start3A_129 = tpu.memref_slice %arg2[%run_scoped3A_4, %add3A, %dma_start3A_127, %dma_start3A_128] : memref<2x32x16x200xi32, #tpu.memory_space<hbm>> -> memref<1x1x16x200xi32, #tpu.memory_space<hbm>>
      %dma_start3A_130 = tpu.memref_squeeze %dma_start3A_129 : memref<1x1x16x200xi32, #tpu.memory_space<hbm>> -> memref<16x200xi32, #tpu.memory_space<hbm>>
      %dma_start3A_131 = arith.constant 0 : i32
      %dma_start3A_132 = arith.constant 0 : i32
      %dma_start3A_133 = tpu.memref_slice %arg5[%run_scoped3A_5, %dma_start3A_131, %dma_start3A_132] : memref<2x16x200xi32, #tpu.memory_space<vmem>> -> memref<1x16x200xi32, #tpu.memory_space<vmem>>
      %dma_start3A_134 = tpu.memref_squeeze %dma_start3A_133 : memref<1x16x200xi32, #tpu.memory_space<vmem>> -> memref<16x200xi32, #tpu.memory_space<vmem>>
      %dma_start3A_135 = arith.constant 0 : i32
      %dma_start3A_136 = arith.constant 0 : i32
      %dma_start3A_137 = tpu.memref_slice %arg2[%run_scoped3A_4, %add3A, %dma_start3A_135, %dma_start3A_136] : memref<2x32x16x200xi32, #tpu.memory_space<hbm>> -> memref<1x1x16x200xi32, #tpu.memory_space<hbm>>
      %dma_start3A_138 = tpu.memref_squeeze %dma_start3A_137 : memref<1x1x16x200xi32, #tpu.memory_space<hbm>> -> memref<16x200xi32, #tpu.memory_space<hbm>>
      tpu.enqueue_dma source(%dma_start3A_138 : memref<16x200xi32, #tpu.memory_space<hbm>>) target(%dma_start3A_134 : memref<16x200xi32, #tpu.memory_space<vmem>>) target_semaphore(%run_scoped3A_122 : memref<!tpu.dma_semaphore, #tpu.memory_space<semaphore_mem>>)
      %dma_wait3A = arith.constant 0 : i32
      %dma_wait3A_139 = arith.constant 0 : i32
      %dma_wait3A_140 = tpu.memref_slice %arg5[%run_scoped3A_5, %dma_wait3A, %dma_wait3A_139] : memref<2x16x200xi32, #tpu.memory_space<vmem>> -> memref<1x16x200xi32, #tpu.memory_space<vmem>>
      %dma_wait3A_141 = tpu.memref_squeeze %dma_wait3A_140 : memref<1x16x200xi32, #tpu.memory_space<vmem>> -> memref<16x200xi32, #tpu.memory_space<vmem>>
      %dma_wait3A_142 = arith.constant 0 : i32
      %dma_wait3A_143 = arith.constant 0 : i32
      %dma_wait3A_144 = tpu.memref_slice %arg2[%run_scoped3A_4, %add3A, %dma_wait3A_142, %dma_wait3A_143] : memref<2x32x16x200xi32, #tpu.memory_space<hbm>> -> memref<1x1x16x200xi32, #tpu.memory_space<hbm>>
      %dma_wait3A_145 = tpu.memref_squeeze %dma_wait3A_144 : memref<1x1x16x200xi32, #tpu.memory_space<hbm>> -> memref<16x200xi32, #tpu.memory_space<hbm>>
      %dma_wait3A_146 = arith.constant 0 : i32
      %dma_wait3A_147 = arith.constant 0 : i32
      %dma_wait3A_148 = tpu.memref_slice %arg5[%run_scoped3A_5, %dma_wait3A_146, %dma_wait3A_147] : memref<2x16x200xi32, #tpu.memory_space<vmem>> -> memref<1x16x200xi32, #tpu.memory_space<vmem>>
      %dma_wait3A_149 = tpu.memref_squeeze %dma_wait3A_148 : memref<1x16x200xi32, #tpu.memory_space<vmem>> -> memref<16x200xi32, #tpu.memory_space<vmem>>
      %dma_wait3A_150 = arith.constant 0 : i32
      %dma_wait3A_151 = arith.constant 0 : i32
      %dma_wait3A_152 = tpu.memref_slice %arg2[%run_scoped3A_4, %add3A, %dma_wait3A_150, %dma_wait3A_151] : memref<2x32x16x200xi32, #tpu.memory_space<hbm>> -> memref<1x1x16x200xi32, #tpu.memory_space<hbm>>
      %dma_wait3A_153 = tpu.memref_squeeze %dma_wait3A_152 : memref<1x1x16x200xi32, #tpu.memory_space<hbm>> -> memref<16x200xi32, #tpu.memory_space<hbm>>
      tpu.wait_dma2 semaphore(%run_scoped3A_122 : memref<!tpu.dma_semaphore, #tpu.memory_space<semaphore_mem>>) src(%dma_wait3A_153 : memref<16x200xi32, #tpu.memory_space<hbm>>) dst(%dma_wait3A_149 : memref<16x200xi32, #tpu.memory_space<vmem>>)
      tpu.yield
    }) : () -> ()
    %dma_start3A = arith.constant 0 : i32
    %dma_start3A_6 = arith.constant 0 : i32
    %dma_start3A_7 = arith.constant 0 : i32
    %dma_start3A_8 = arith.constant 0 : i32
    %dma_start3A_9 = arith.constant 0 : i32
    %dma_start3A_10 = arith.constant 0 : i32
    %dma_start3A_11 = tpu.memref_slice %arg6[%dma_start3A_7, %dma_start3A_8, %dma_start3A_9, %dma_start3A_10] : memref<4x2x200x64xf32, #tpu.memory_space<vmem>> -> memref<1x1x200x64xf32, #tpu.memory_space<vmem>>
    %dma_start3A_12 = tpu.memref_squeeze %dma_start3A_11 : memref<1x1x200x64xf32, #tpu.memory_space<vmem>> -> memref<200x64xf32, #tpu.memory_space<vmem>>
    %dma_start3A_13 = arith.constant 0 : i32
    %dma_start3A_14 = tpu.memref_slice %arg5[%dma_start3A, %dma_start3A_6, %dma_start3A_13] : memref<2x16x200xi32, #tpu.memory_space<vmem>> -> memref<1x1x200xi32, #tpu.memory_space<vmem>>
    %dma_start3A_15 = tpu.memref_squeeze %dma_start3A_14 : memref<1x1x200xi32, #tpu.memory_space<vmem>> -> memref<200xi32, #tpu.memory_space<vmem>>
    %dma_start3A_16 = arith.constant 0 : i32
    %dma_start3A_17 = arith.constant 0 : i32
    %dma_start3A_18 = tpu.memref_slice %arg3[%dma_start3A_16, %dma_start3A_17] : memref<100000x64xf32, #tpu.memory_space<hbm>> -> memref<100000x64xf32, #tpu.memory_space<hbm>>
    tpu.enqueue_indirect_dma source(%dma_start3A_18 : memref<100000x64xf32, #tpu.memory_space<hbm>>) target(%dma_start3A_12 : memref<200x64xf32, #tpu.memory_space<vmem>>) offsets(%dma_start3A_15 : memref<200xi32, #tpu.memory_space<vmem>>) semaphore(%arg7 : memref<!tpu.dma_semaphore, #tpu.memory_space<semaphore_mem>>)
    %dma_start3A_19 = arith.constant 1 : i32
    %dma_start3A_20 = arith.constant 0 : i32
    %dma_start3A_21 = arith.constant 0 : i32
    %dma_start3A_22 = arith.constant 1 : i32
    %dma_start3A_23 = arith.constant 0 : i32
    %dma_start3A_24 = arith.constant 0 : i32
    %dma_start3A_25 = tpu.memref_slice %arg6[%dma_start3A_21, %dma_start3A_22, %dma_start3A_23, %dma_start3A_24] : memref<4x2x200x64xf32, #tpu.memory_space<vmem>> -> memref<1x1x200x64xf32, #tpu.memory_space<vmem>>
    %dma_start3A_26 = tpu.memref_squeeze %dma_start3A_25 : memref<1x1x200x64xf32, #tpu.memory_space<vmem>> -> memref<200x64xf32, #tpu.memory_space<vmem>>
    %dma_start3A_27 = arith.constant 0 : i32
    %dma_start3A_28 = tpu.memref_slice %arg5[%dma_start3A_19, %dma_start3A_20, %dma_start3A_27] : memref<2x16x200xi32, #tpu.memory_space<vmem>> -> memref<1x1x200xi32, #tpu.memory_space<vmem>>
    %dma_start3A_29 = tpu.memref_squeeze %dma_start3A_28 : memref<1x1x200xi32, #tpu.memory_space<vmem>> -> memref<200xi32, #tpu.memory_space<vmem>>
    %dma_start3A_30 = arith.constant 0 : i32
    %dma_start3A_31 = arith.constant 0 : i32
    %dma_start3A_32 = tpu.memref_slice %arg3[%dma_start3A_30, %dma_start3A_31] : memref<100000x64xf32, #tpu.memory_space<hbm>> -> memref<100000x64xf32, #tpu.memory_space<hbm>>
    tpu.enqueue_indirect_dma source(%dma_start3A_32 : memref<100000x64xf32, #tpu.memory_space<hbm>>) target(%dma_start3A_26 : memref<200x64xf32, #tpu.memory_space<vmem>>) offsets(%dma_start3A_29 : memref<200xi32, #tpu.memory_space<vmem>>) semaphore(%arg7 : memref<!tpu.dma_semaphore, #tpu.memory_space<semaphore_mem>>)
    %dma_start3A_33 = arith.constant 0 : i32
    %dma_start3A_34 = arith.constant 1 : i32
    %dma_start3A_35 = arith.constant 1 : i32
    %dma_start3A_36 = arith.constant 0 : i32
    %dma_start3A_37 = arith.constant 0 : i32
    %dma_start3A_38 = arith.constant 0 : i32
    %dma_start3A_39 = tpu.memref_slice %arg6[%dma_start3A_35, %dma_start3A_36, %dma_start3A_37, %dma_start3A_38] : memref<4x2x200x64xf32, #tpu.memory_space<vmem>> -> memref<1x1x200x64xf32, #tpu.memory_space<vmem>>
    %dma_start3A_40 = tpu.memref_squeeze %dma_start3A_39 : memref<1x1x200x64xf32, #tpu.memory_space<vmem>> -> memref<200x64xf32, #tpu.memory_space<vmem>>
    %dma_start3A_41 = arith.constant 0 : i32
    %dma_start3A_42 = tpu.memref_slice %arg5[%dma_start3A_33, %dma_start3A_34, %dma_start3A_41] : memref<2x16x200xi32, #tpu.memory_space<vmem>> -> memref<1x1x200xi32, #tpu.memory_space<vmem>>
    %dma_start3A_43 = tpu.memref_squeeze %dma_start3A_42 : memref<1x1x200xi32, #tpu.memory_space<vmem>> -> memref<200xi32, #tpu.memory_space<vmem>>
    %dma_start3A_44 = arith.constant 0 : i32
    %dma_start3A_45 = arith.constant 0 : i32
    %dma_start3A_46 = tpu.memref_slice %arg3[%dma_start3A_44, %dma_start3A_45] : memref<100000x64xf32, #tpu.memory_space<hbm>> -> memref<100000x64xf32, #tpu.memory_space<hbm>>
    tpu.enqueue_indirect_dma source(%dma_start3A_46 : memref<100000x64xf32, #tpu.memory_space<hbm>>) target(%dma_start3A_40 : memref<200x64xf32, #tpu.memory_space<vmem>>) offsets(%dma_start3A_43 : memref<200xi32, #tpu.memory_space<vmem>>) semaphore(%arg8 : memref<!tpu.dma_semaphore, #tpu.memory_space<semaphore_mem>>)
    %dma_start3A_47 = arith.constant 1 : i32
    %dma_start3A_48 = arith.constant 1 : i32
    %dma_start3A_49 = arith.constant 1 : i32
    %dma_start3A_50 = arith.constant 1 : i32
    %dma_start3A_51 = arith.constant 0 : i32
    %dma_start3A_52 = arith.constant 0 : i32
    %dma_start3A_53 = tpu.memref_slice %arg6[%dma_start3A_49, %dma_start3A_50, %dma_start3A_51, %dma_start3A_52] : memref<4x2x200x64xf32, #tpu.memory_space<vmem>> -> memref<1x1x200x64xf32, #tpu.memory_space<vmem>>
    %dma_start3A_54 = tpu.memref_squeeze %dma_start3A_53 : memref<1x1x200x64xf32, #tpu.memory_space<vmem>> -> memref<200x64xf32, #tpu.memory_space<vmem>>
    %dma_start3A_55 = arith.constant 0 : i32
    %dma_start3A_56 = tpu.memref_slice %arg5[%dma_start3A_47, %dma_start3A_48, %dma_start3A_55] : memref<2x16x200xi32, #tpu.memory_space<vmem>> -> memref<1x1x200xi32, #tpu.memory_space<vmem>>
    %dma_start3A_57 = tpu.memref_squeeze %dma_start3A_56 : memref<1x1x200xi32, #tpu.memory_space<vmem>> -> memref<200xi32, #tpu.memory_space<vmem>>
    %dma_start3A_58 = arith.constant 0 : i32
    %dma_start3A_59 = arith.constant 0 : i32
    %dma_start3A_60 = tpu.memref_slice %arg3[%dma_start3A_58, %dma_start3A_59] : memref<100000x64xf32, #tpu.memory_space<hbm>> -> memref<100000x64xf32, #tpu.memory_space<hbm>>
    tpu.enqueue_indirect_dma source(%dma_start3A_60 : memref<100000x64xf32, #tpu.memory_space<hbm>>) target(%dma_start3A_54 : memref<200x64xf32, #tpu.memory_space<vmem>>) offsets(%dma_start3A_57 : memref<200xi32, #tpu.memory_space<vmem>>) semaphore(%arg8 : memref<!tpu.dma_semaphore, #tpu.memory_space<semaphore_mem>>)
    %dma_start3A_61 = arith.constant 0 : i32
    %dma_start3A_62 = arith.constant 2 : i32
    %dma_start3A_63 = arith.constant 2 : i32
    %dma_start3A_64 = arith.constant 0 : i32
    %dma_start3A_65 = arith.constant 0 : i32
    %dma_start3A_66 = arith.constant 0 : i32
    %dma_start3A_67 = tpu.memref_slice %arg6[%dma_start3A_63, %dma_start3A_64, %dma_start3A_65, %dma_start3A_66] : memref<4x2x200x64xf32, #tpu.memory_space<vmem>> -> memref<1x1x200x64xf32, #tpu.memory_space<vmem>>
    %dma_start3A_68 = tpu.memref_squeeze %dma_start3A_67 : memref<1x1x200x64xf32, #tpu.memory_space<vmem>> -> memref<200x64xf32, #tpu.memory_space<vmem>>
    %dma_start3A_69 = arith.constant 0 : i32
    %dma_start3A_70 = tpu.memref_slice %arg5[%dma_start3A_61, %dma_start3A_62, %dma_start3A_69] : memref<2x16x200xi32, #tpu.memory_space<vmem>> -> memref<1x1x200xi32, #tpu.memory_space<vmem>>
    %dma_start3A_71 = tpu.memref_squeeze %dma_start3A_70 : memref<1x1x200xi32, #tpu.memory_space<vmem>> -> memref<200xi32, #tpu.memory_space<vmem>>
    %dma_start3A_72 = arith.constant 0 : i32
    %dma_start3A_73 = arith.constant 0 : i32
    %dma_start3A_74 = tpu.memref_slice %arg3[%dma_start3A_72, %dma_start3A_73] : memref<100000x64xf32, #tpu.memory_space<hbm>> -> memref<100000x64xf32, #tpu.memory_space<hbm>>
    tpu.enqueue_indirect_dma source(%dma_start3A_74 : memref<100000x64xf32, #tpu.memory_space<hbm>>) target(%dma_start3A_68 : memref<200x64xf32, #tpu.memory_space<vmem>>) offsets(%dma_start3A_71 : memref<200xi32, #tpu.memory_space<vmem>>) semaphore(%arg9 : memref<!tpu.dma_semaphore, #tpu.memory_space<semaphore_mem>>)
    %dma_start3A_75 = arith.constant 1 : i32
    %dma_start3A_76 = arith.constant 2 : i32
    %dma_start3A_77 = arith.constant 2 : i32
    %dma_start3A_78 = arith.constant 1 : i32
    %dma_start3A_79 = arith.constant 0 : i32
    %dma_start3A_80 = arith.constant 0 : i32
    %dma_start3A_81 = tpu.memref_slice %arg6[%dma_start3A_77, %dma_start3A_78, %dma_start3A_79, %dma_start3A_80] : memref<4x2x200x64xf32, #tpu.memory_space<vmem>> -> memref<1x1x200x64xf32, #tpu.memory_space<vmem>>
    %dma_start3A_82 = tpu.memref_squeeze %dma_start3A_81 : memref<1x1x200x64xf32, #tpu.memory_space<vmem>> -> memref<200x64xf32, #tpu.memory_space<vmem>>
    %dma_start3A_83 = arith.constant 0 : i32
    %dma_start3A_84 = tpu.memref_slice %arg5[%dma_start3A_75, %dma_start3A_76, %dma_start3A_83] : memref<2x16x200xi32, #tpu.memory_space<vmem>> -> memref<1x1x200xi32, #tpu.memory_space<vmem>>
    %dma_start3A_85 = tpu.memref_squeeze %dma_start3A_84 : memref<1x1x200xi32, #tpu.memory_space<vmem>> -> memref<200xi32, #tpu.memory_space<vmem>>
    %dma_start3A_86 = arith.constant 0 : i32
    %dma_start3A_87 = arith.constant 0 : i32
    %dma_start3A_88 = tpu.memref_slice %arg3[%dma_start3A_86, %dma_start3A_87] : memref<100000x64xf32, #tpu.memory_space<hbm>> -> memref<100000x64xf32, #tpu.memory_space<hbm>>
    tpu.enqueue_indirect_dma source(%dma_start3A_88 : memref<100000x64xf32, #tpu.memory_space<hbm>>) target(%dma_start3A_82 : memref<200x64xf32, #tpu.memory_space<vmem>>) offsets(%dma_start3A_85 : memref<200xi32, #tpu.memory_space<vmem>>) semaphore(%arg9 : memref<!tpu.dma_semaphore, #tpu.memory_space<semaphore_mem>>)
    %dma_start3A_89 = arith.constant 0 : i32
    %dma_start3A_90 = arith.constant 3 : i32
    %dma_start3A_91 = arith.constant 3 : i32
    %dma_start3A_92 = arith.constant 0 : i32
    %dma_start3A_93 = arith.constant 0 : i32
    %dma_start3A_94 = arith.constant 0 : i32
    %dma_start3A_95 = tpu.memref_slice %arg6[%dma_start3A_91, %dma_start3A_92, %dma_start3A_93, %dma_start3A_94] : memref<4x2x200x64xf32, #tpu.memory_space<vmem>> -> memref<1x1x200x64xf32, #tpu.memory_space<vmem>>
    %dma_start3A_96 = tpu.memref_squeeze %dma_start3A_95 : memref<1x1x200x64xf32, #tpu.memory_space<vmem>> -> memref<200x64xf32, #tpu.memory_space<vmem>>
    %dma_start3A_97 = arith.constant 0 : i32
    %dma_start3A_98 = tpu.memref_slice %arg5[%dma_start3A_89, %dma_start3A_90, %dma_start3A_97] : memref<2x16x200xi32, #tpu.memory_space<vmem>> -> memref<1x1x200xi32, #tpu.memory_space<vmem>>
    %dma_start3A_99 = tpu.memref_squeeze %dma_start3A_98 : memref<1x1x200xi32, #tpu.memory_space<vmem>> -> memref<200xi32, #tpu.memory_space<vmem>>
    %dma_start3A_100 = arith.constant 0 : i32
    %dma_start3A_101 = arith.constant 0 : i32
    %dma_start3A_102 = tpu.memref_slice %arg3[%dma_start3A_100, %dma_start3A_101] : memref<100000x64xf32, #tpu.memory_space<hbm>> -> memref<100000x64xf32, #tpu.memory_space<hbm>>
    tpu.enqueue_indirect_dma source(%dma_start3A_102 : memref<100000x64xf32, #tpu.memory_space<hbm>>) target(%dma_start3A_96 : memref<200x64xf32, #tpu.memory_space<vmem>>) offsets(%dma_start3A_99 : memref<200xi32, #tpu.memory_space<vmem>>) semaphore(%arg10 : memref<!tpu.dma_semaphore, #tpu.memory_space<semaphore_mem>>)
    %dma_start3A_103 = arith.constant 1 : i32
    %dma_start3A_104 = arith.constant 3 : i32
    %dma_start3A_105 = arith.constant 3 : i32
    %dma_start3A_106 = arith.constant 1 : i32
    %dma_start3A_107 = arith.constant 0 : i32
    %dma_start3A_108 = arith.constant 0 : i32
    %dma_start3A_109 = tpu.memref_slice %arg6[%dma_start3A_105, %dma_start3A_106, %dma_start3A_107, %dma_start3A_108] : memref<4x2x200x64xf32, #tpu.memory_space<vmem>> -> memref<1x1x200x64xf32, #tpu.memory_space<vmem>>
    %dma_start3A_110 = tpu.memref_squeeze %dma_start3A_109 : memref<1x1x200x64xf32, #tpu.memory_space<vmem>> -> memref<200x64xf32, #tpu.memory_space<vmem>>
    %dma_start3A_111 = arith.constant 0 : i32
    %dma_start3A_112 = tpu.memref_slice %arg5[%dma_start3A_103, %dma_start3A_104, %dma_start3A_111] : memref<2x16x200xi32, #tpu.memory_space<vmem>> -> memref<1x1x200xi32, #tpu.memory_space<vmem>>
    %dma_start3A_113 = tpu.memref_squeeze %dma_start3A_112 : memref<1x1x200xi32, #tpu.memory_space<vmem>> -> memref<200xi32, #tpu.memory_space<vmem>>
    %dma_start3A_114 = arith.constant 0 : i32
    %dma_start3A_115 = arith.constant 0 : i32
    %dma_start3A_116 = tpu.memref_slice %arg3[%dma_start3A_114, %dma_start3A_115] : memref<100000x64xf32, #tpu.memory_space<hbm>> -> memref<100000x64xf32, #tpu.memory_space<hbm>>
    tpu.enqueue_indirect_dma source(%dma_start3A_116 : memref<100000x64xf32, #tpu.memory_space<hbm>>) target(%dma_start3A_110 : memref<200x64xf32, #tpu.memory_space<vmem>>) offsets(%dma_start3A_113 : memref<200xi32, #tpu.memory_space<vmem>>) semaphore(%arg10 : memref<!tpu.dma_semaphore, #tpu.memory_space<semaphore_mem>>)
    %scan3A = arith.constant 0 : i32
    %scan3A_117 = arith.constant 0 : i32
    %scan3A_118 = arith.constant 4 : i32
    %scan3A_119 = arith.addi %scan3A_117, %scan3A_118 : i32
    %scan3A_120 = arith.constant 1 : i32
    scf.for %scan3A_122 = %scan3A_117 to %scan3A_119 step %scan3A_120  : i32 {
      %mul3A_123 = arith.constant 4 : i32
      %mul3A_124 = arith.muli %mul3A_123, %scan3A_122 : i32
      %add3A_125 = arith.constant 0 : i32
      %add3A_126 = arith.addi %mul3A_124, %add3A_125 : i32
      %dma_wait3A = arith.constant 0 : i32
      %dma_wait3A_127 = arith.constant 0 : i32
      %dma_wait3A_128 = arith.constant 0 : i32
      %dma_wait3A_129 = arith.constant 0 : i32
      %dma_wait3A_130 = arith.constant 0 : i32
      %dma_wait3A_131 = tpu.memref_slice %arg6[%dma_wait3A_127, %dma_wait3A_128, %dma_wait3A_129, %dma_wait3A_130] : memref<4x2x200x64xf32, #tpu.memory_space<vmem>> -> memref<1x1x200x64xf32, #tpu.memory_space<vmem>>
      %dma_wait3A_132 = tpu.memref_squeeze %dma_wait3A_131 : memref<1x1x200x64xf32, #tpu.memory_space<vmem>> -> memref<200x64xf32, #tpu.memory_space<vmem>>
      %dma_wait3A_133 = arith.constant 0 : i32
      %dma_wait3A_134 = tpu.memref_slice %arg5[%dma_wait3A, %add3A_126, %dma_wait3A_133] : memref<2x16x200xi32, #tpu.memory_space<vmem>> -> memref<1x1x200xi32, #tpu.memory_space<vmem>>
      %dma_wait3A_135 = tpu.memref_squeeze %dma_wait3A_134 : memref<1x1x200xi32, #tpu.memory_space<vmem>> -> memref<200xi32, #tpu.memory_space<vmem>>
      %dma_wait3A_136 = arith.constant 0 : i32
      %dma_wait3A_137 = arith.constant 0 : i32
      %dma_wait3A_138 = tpu.memref_slice %arg3[%dma_wait3A_136, %dma_wait3A_137] : memref<100000x64xf32, #tpu.memory_space<hbm>> -> memref<100000x64xf32, #tpu.memory_space<hbm>>
      tpu.wait_indirect_dma semaphore(%arg7 : memref<!tpu.dma_semaphore, #tpu.memory_space<semaphore_mem>>) src(%dma_wait3A_138 : memref<100000x64xf32, #tpu.memory_space<hbm>>) dst(%dma_wait3A_132 : memref<200x64xf32, #tpu.memory_space<vmem>>)
      %dma_wait3A_139 = arith.constant 1 : i32
      %dma_wait3A_140 = arith.constant 0 : i32
      %dma_wait3A_141 = arith.constant 1 : i32
      %dma_wait3A_142 = arith.constant 0 : i32
      %dma_wait3A_143 = arith.constant 0 : i32
      %dma_wait3A_144 = tpu.memref_slice %arg6[%dma_wait3A_140, %dma_wait3A_141, %dma_wait3A_142, %dma_wait3A_143] : memref<4x2x200x64xf32, #tpu.memory_space<vmem>> -> memref<1x1x200x64xf32, #tpu.memory_space<vmem>>
      %dma_wait3A_145 = tpu.memref_squeeze %dma_wait3A_144 : memref<1x1x200x64xf32, #tpu.memory_space<vmem>> -> memref<200x64xf32, #tpu.memory_space<vmem>>
      %dma_wait3A_146 = arith.constant 0 : i32
      %dma_wait3A_147 = tpu.memref_slice %arg5[%dma_wait3A_139, %add3A_126, %dma_wait3A_146] : memref<2x16x200xi32, #tpu.memory_space<vmem>> -> memref<1x1x200xi32, #tpu.memory_space<vmem>>
      %dma_wait3A_148 = tpu.memref_squeeze %dma_wait3A_147 : memref<1x1x200xi32, #tpu.memory_space<vmem>> -> memref<200xi32, #tpu.memory_space<vmem>>
      %dma_wait3A_149 = arith.constant 0 : i32
      %dma_wait3A_150 = arith.constant 0 : i32
      %dma_wait3A_151 = tpu.memref_slice %arg3[%dma_wait3A_149, %dma_wait3A_150] : memref<100000x64xf32, #tpu.memory_space<hbm>> -> memref<100000x64xf32, #tpu.memory_space<hbm>>
      tpu.wait_indirect_dma semaphore(%arg7 : memref<!tpu.dma_semaphore, #tpu.memory_space<semaphore_mem>>) src(%dma_wait3A_151 : memref<100000x64xf32, #tpu.memory_space<hbm>>) dst(%dma_wait3A_145 : memref<200x64xf32, #tpu.memory_space<vmem>>)
      %mul3A_152 = arith.constant 8 : i32
      %mul3A_153 = arith.muli %add3A_126, %mul3A_152 : i32
      %add3A_154 = arith.addi %mul3A_2, %mul3A_153 : i32
      %mul3A_155 = arith.constant 50 : i32
      %mul3A_156 = arith.muli %add3A_154, %mul3A_155 : i32
      %mul3A_157 = arith.constant 64 : i32
      %mul3A_158 = arith.muli %mul3A_156, %mul3A_157 : i32
      %jit3A = arith.constant 128 : i32
      %div3A = arith.divsi %mul3A_158, %jit3A : i32
      %sign3A = arith.constant 0 : i32
      %sign3A_159 = arith.cmpi sgt, %mul3A_158, %sign3A : i32
      %sign3A_160 = arith.extui %sign3A_159 : i1 to i32
      %sign3A_161 = arith.constant 0 : i32
      %sign3A_162 = arith.cmpi slt, %mul3A_158, %sign3A_161 : i32
      %sign3A_163 = arith.extui %sign3A_162 : i1 to i32
      %sign3A_164 = arith.subi %sign3A_160, %sign3A_163 : i32
      %sign3A_165 = arith.constant 0 : i32
      %sign3A_166 = arith.cmpi sgt, %jit3A, %sign3A_165 : i32
      %sign3A_167 = arith.extui %sign3A_166 : i1 to i32
      %sign3A_168 = arith.constant 0 : i32
      %sign3A_169 = arith.cmpi slt, %jit3A, %sign3A_168 : i32
      %sign3A_170 = arith.extui %sign3A_169 : i1 to i32
      %sign3A_171 = arith.subi %sign3A_167, %sign3A_170 : i32
      %ne3A = arith.cmpi ne, %sign3A_164, %sign3A_171 : i32
      %rem3A = arith.remsi %mul3A_158, %jit3A : i32
      %ne3A_172 = arith.constant 0 : i32
      %ne3A_173 = arith.cmpi ne, %rem3A, %ne3A_172 : i32
      %and3A = arith.andi %ne3A, %ne3A_173 : i1
      %sub3A = arith.constant 1 : i32
      %sub3A_174 = arith.subi %div3A, %sub3A : i32
      %select_n3A = arith.select %and3A, %sub3A_174, %div3A : i32
      %dma_start3A_175 = arith.constant 0 : i32
      %dma_start3A_176 = arith.constant 0 : i32
      %dma_start3A_177 = arith.constant 0 : i32
      %dma_start3A_178 = arith.constant 0 : i32
      %dma_start3A_179 = tpu.memref_slice %arg6[%dma_start3A_175, %dma_start3A_176, %dma_start3A_177, %dma_start3A_178] : memref<4x2x200x64xf32, #tpu.memory_space<vmem>> -> memref<1x1x200x64xf32, #tpu.memory_space<vmem>>
      %dma_start3A_180 = tpu.memref_squeeze %dma_start3A_179 : memref<1x1x200x64xf32, #tpu.memory_space<vmem>> -> memref<200x64xf32, #tpu.memory_space<vmem>>
      %dma_start3A_181 = arith.constant 0 : i32
      %dma_start3A_182 = tpu.memref_slice %arg4[%select_n3A, %dma_start3A_181] : memref<102400x128xf32, #tpu.memory_space<hbm>> -> memref<200x64xf32, #tpu.memory_space<hbm>>
      %dma_start3A_183 = arith.constant 0 : i32
      %dma_start3A_184 = tpu.memref_slice %arg4[%select_n3A, %dma_start3A_183] : memref<102400x128xf32, #tpu.memory_space<hbm>> -> memref<200x64xf32, #tpu.memory_space<hbm>>
      %dma_start3A_185 = arith.constant 0 : i32
      %dma_start3A_186 = arith.constant 0 : i32
      %dma_start3A_187 = tpu.memref_slice %arg6[%dma_start3A_175, %dma_start3A_176, %dma_start3A_185, %dma_start3A_186] : memref<4x2x200x64xf32, #tpu.memory_space<vmem>> -> memref<1x1x200x64xf32, #tpu.memory_space<vmem>>
      %dma_start3A_188 = tpu.memref_squeeze %dma_start3A_187 : memref<1x1x200x64xf32, #tpu.memory_space<vmem>> -> memref<200x64xf32, #tpu.memory_space<vmem>>
      tpu.enqueue_dma source(%dma_start3A_188 : memref<200x64xf32, #tpu.memory_space<vmem>>) target(%dma_start3A_184 : memref<200x64xf32, #tpu.memory_space<hbm>>) target_semaphore(%arg11 : memref<!tpu.dma_semaphore, #tpu.memory_space<semaphore_mem>>)
      %mul3A_189 = arith.constant 8 : i32
      %mul3A_190 = arith.muli %add3A_126, %mul3A_189 : i32
      %add3A_191 = arith.addi %mul3A_2, %mul3A_190 : i32
      %mul3A_192 = arith.constant 50 : i32
      %mul3A_193 = arith.muli %add3A_191, %mul3A_192 : i32
      %mul3A_194 = arith.constant 64 : i32
      %mul3A_195 = arith.muli %mul3A_193, %mul3A_194 : i32
      %jit3A_196 = arith.constant 128 : i32
      %div3A_197 = arith.divsi %mul3A_195, %jit3A_196 : i32
      %sign3A_198 = arith.constant 0 : i32
      %sign3A_199 = arith.cmpi sgt, %mul3A_195, %sign3A_198 : i32
      %sign3A_200 = arith.extui %sign3A_199 : i1 to i32
      %sign3A_201 = arith.constant 0 : i32
      %sign3A_202 = arith.cmpi slt, %mul3A_195, %sign3A_201 : i32
      %sign3A_203 = arith.extui %sign3A_202 : i1 to i32
      %sign3A_204 = arith.subi %sign3A_200, %sign3A_203 : i32
      %sign3A_205 = arith.constant 0 : i32
      %sign3A_206 = arith.cmpi sgt, %jit3A_196, %sign3A_205 : i32
      %sign3A_207 = arith.extui %sign3A_206 : i1 to i32
      %sign3A_208 = arith.constant 0 : i32
      %sign3A_209 = arith.cmpi slt, %jit3A_196, %sign3A_208 : i32
      %sign3A_210 = arith.extui %sign3A_209 : i1 to i32
      %sign3A_211 = arith.subi %sign3A_207, %sign3A_210 : i32
      %ne3A_212 = arith.cmpi ne, %sign3A_204, %sign3A_211 : i32
      %rem3A_213 = arith.remsi %mul3A_195, %jit3A_196 : i32
      %ne3A_214 = arith.constant 0 : i32
      %ne3A_215 = arith.cmpi ne, %rem3A_213, %ne3A_214 : i32
      %and3A_216 = arith.andi %ne3A_212, %ne3A_215 : i1
      %sub3A_217 = arith.constant 1 : i32
      %sub3A_218 = arith.subi %div3A_197, %sub3A_217 : i32
      %select_n3A_219 = arith.select %and3A_216, %sub3A_218, %div3A_197 : i32
      %dma_start3A_220 = arith.constant 0 : i32
      %dma_start3A_221 = arith.constant 1 : i32
      %dma_start3A_222 = arith.constant 0 : i32
      %dma_start3A_223 = arith.constant 0 : i32
      %dma_start3A_224 = tpu.memref_slice %arg6[%dma_start3A_220, %dma_start3A_221, %dma_start3A_222, %dma_start3A_223] : memref<4x2x200x64xf32, #tpu.memory_space<vmem>> -> memref<1x1x200x64xf32, #tpu.memory_space<vmem>>
      %dma_start3A_225 = tpu.memref_squeeze %dma_start3A_224 : memref<1x1x200x64xf32, #tpu.memory_space<vmem>> -> memref<200x64xf32, #tpu.memory_space<vmem>>
      %dma_start3A_226 = arith.constant 64 : i32
      %dma_start3A_227 = tpu.memref_slice %arg4[%select_n3A_219, %dma_start3A_226] : memref<102400x128xf32, #tpu.memory_space<hbm>> -> memref<200x64xf32, #tpu.memory_space<hbm>>
      %dma_start3A_228 = arith.constant 64 : i32
      %dma_start3A_229 = tpu.memref_slice %arg4[%select_n3A_219, %dma_start3A_228] : memref<102400x128xf32, #tpu.memory_space<hbm>> -> memref<200x64xf32, #tpu.memory_space<hbm>>
      %dma_start3A_230 = arith.constant 0 : i32
      %dma_start3A_231 = arith.constant 0 : i32
      %dma_start3A_232 = tpu.memref_slice %arg6[%dma_start3A_220, %dma_start3A_221, %dma_start3A_230, %dma_start3A_231] : memref<4x2x200x64xf32, #tpu.memory_space<vmem>> -> memref<1x1x200x64xf32, #tpu.memory_space<vmem>>
      %dma_start3A_233 = tpu.memref_squeeze %dma_start3A_232 : memref<1x1x200x64xf32, #tpu.memory_space<vmem>> -> memref<200x64xf32, #tpu.memory_space<vmem>>
      tpu.enqueue_dma source(%dma_start3A_233 : memref<200x64xf32, #tpu.memory_space<vmem>>) target(%dma_start3A_229 : memref<200x64xf32, #tpu.memory_space<hbm>>) target_semaphore(%arg11 : memref<!tpu.dma_semaphore, #tpu.memory_space<semaphore_mem>>)
      %add3A_234 = arith.constant 1 : i32
      %add3A_235 = arith.addi %mul3A_124, %add3A_234 : i32
      %dma_wait3A_236 = arith.constant 0 : i32
      %dma_wait3A_237 = arith.constant 1 : i32
      %dma_wait3A_238 = arith.constant 0 : i32
      %dma_wait3A_239 = arith.constant 0 : i32
      %dma_wait3A_240 = arith.constant 0 : i32
      %dma_wait3A_241 = tpu.memref_slice %arg6[%dma_wait3A_237, %dma_wait3A_238, %dma_wait3A_239, %dma_wait3A_240] : memref<4x2x200x64xf32, #tpu.memory_space<vmem>> -> memref<1x1x200x64xf32, #tpu.memory_space<vmem>>
      %dma_wait3A_242 = tpu.memref_squeeze %dma_wait3A_241 : memref<1x1x200x64xf32, #tpu.memory_space<vmem>> -> memref<200x64xf32, #tpu.memory_space<vmem>>
      %dma_wait3A_243 = arith.constant 0 : i32
      %dma_wait3A_244 = tpu.memref_slice %arg5[%dma_wait3A_236, %add3A_235, %dma_wait3A_243] : memref<2x16x200xi32, #tpu.memory_space<vmem>> -> memref<1x1x200xi32, #tpu.memory_space<vmem>>
      %dma_wait3A_245 = tpu.memref_squeeze %dma_wait3A_244 : memref<1x1x200xi32, #tpu.memory_space<vmem>> -> memref<200xi32, #tpu.memory_space<vmem>>
      %dma_wait3A_246 = arith.constant 0 : i32
      %dma_wait3A_247 = arith.constant 0 : i32
      %dma_wait3A_248 = tpu.memref_slice %arg3[%dma_wait3A_246, %dma_wait3A_247] : memref<100000x64xf32, #tpu.memory_space<hbm>> -> memref<100000x64xf32, #tpu.memory_space<hbm>>
      tpu.wait_indirect_dma semaphore(%arg8 : memref<!tpu.dma_semaphore, #tpu.memory_space<semaphore_mem>>) src(%dma_wait3A_248 : memref<100000x64xf32, #tpu.memory_space<hbm>>) dst(%dma_wait3A_242 : memref<200x64xf32, #tpu.memory_space<vmem>>)
      %dma_wait3A_249 = arith.constant 1 : i32
      %dma_wait3A_250 = arith.constant 1 : i32
      %dma_wait3A_251 = arith.constant 1 : i32
      %dma_wait3A_252 = arith.constant 0 : i32
      %dma_wait3A_253 = arith.constant 0 : i32
      %dma_wait3A_254 = tpu.memref_slice %arg6[%dma_wait3A_250, %dma_wait3A_251, %dma_wait3A_252, %dma_wait3A_253] : memref<4x2x200x64xf32, #tpu.memory_space<vmem>> -> memref<1x1x200x64xf32, #tpu.memory_space<vmem>>
      %dma_wait3A_255 = tpu.memref_squeeze %dma_wait3A_254 : memref<1x1x200x64xf32, #tpu.memory_space<vmem>> -> memref<200x64xf32, #tpu.memory_space<vmem>>
      %dma_wait3A_256 = arith.constant 0 : i32
      %dma_wait3A_257 = tpu.memref_slice %arg5[%dma_wait3A_249, %add3A_235, %dma_wait3A_256] : memref<2x16x200xi32, #tpu.memory_space<vmem>> -> memref<1x1x200xi32, #tpu.memory_space<vmem>>
      %dma_wait3A_258 = tpu.memref_squeeze %dma_wait3A_257 : memref<1x1x200xi32, #tpu.memory_space<vmem>> -> memref<200xi32, #tpu.memory_space<vmem>>
      %dma_wait3A_259 = arith.constant 0 : i32
      %dma_wait3A_260 = arith.constant 0 : i32
      %dma_wait3A_261 = tpu.memref_slice %arg3[%dma_wait3A_259, %dma_wait3A_260] : memref<100000x64xf32, #tpu.memory_space<hbm>> -> memref<100000x64xf32, #tpu.memory_space<hbm>>
      tpu.wait_indirect_dma semaphore(%arg8 : memref<!tpu.dma_semaphore, #tpu.memory_space<semaphore_mem>>) src(%dma_wait3A_261 : memref<100000x64xf32, #tpu.memory_space<hbm>>) dst(%dma_wait3A_255 : memref<200x64xf32, #tpu.memory_space<vmem>>)
      %mul3A_262 = arith.constant 8 : i32
      %mul3A_263 = arith.muli %add3A_235, %mul3A_262 : i32
      %add3A_264 = arith.addi %mul3A_2, %mul3A_263 : i32
      %mul3A_265 = arith.constant 50 : i32
      %mul3A_266 = arith.muli %add3A_264, %mul3A_265 : i32
      %mul3A_267 = arith.constant 64 : i32
      %mul3A_268 = arith.muli %mul3A_266, %mul3A_267 : i32
      %jit3A_269 = arith.constant 128 : i32
      %div3A_270 = arith.divsi %mul3A_268, %jit3A_269 : i32
      %sign3A_271 = arith.constant 0 : i32
      %sign3A_272 = arith.cmpi sgt, %mul3A_268, %sign3A_271 : i32
      %sign3A_273 = arith.extui %sign3A_272 : i1 to i32
      %sign3A_274 = arith.constant 0 : i32
      %sign3A_275 = arith.cmpi slt, %mul3A_268, %sign3A_274 : i32
      %sign3A_276 = arith.extui %sign3A_275 : i1 to i32
      %sign3A_277 = arith.subi %sign3A_273, %sign3A_276 : i32
      %sign3A_278 = arith.constant 0 : i32
      %sign3A_279 = arith.cmpi sgt, %jit3A_269, %sign3A_278 : i32
      %sign3A_280 = arith.extui %sign3A_279 : i1 to i32
      %sign3A_281 = arith.constant 0 : i32
      %sign3A_282 = arith.cmpi slt, %jit3A_269, %sign3A_281 : i32
      %sign3A_283 = arith.extui %sign3A_282 : i1 to i32
      %sign3A_284 = arith.subi %sign3A_280, %sign3A_283 : i32
      %ne3A_285 = arith.cmpi ne, %sign3A_277, %sign3A_284 : i32
      %rem3A_286 = arith.remsi %mul3A_268, %jit3A_269 : i32
      %ne3A_287 = arith.constant 0 : i32
      %ne3A_288 = arith.cmpi ne, %rem3A_286, %ne3A_287 : i32
      %and3A_289 = arith.andi %ne3A_285, %ne3A_288 : i1
      %sub3A_290 = arith.constant 1 : i32
      %sub3A_291 = arith.subi %div3A_270, %sub3A_290 : i32
      %select_n3A_292 = arith.select %and3A_289, %sub3A_291, %div3A_270 : i32
      %dma_start3A_293 = arith.constant 1 : i32
      %dma_start3A_294 = arith.constant 0 : i32
      %dma_start3A_295 = arith.constant 0 : i32
      %dma_start3A_296 = arith.constant 0 : i32
      %dma_start3A_297 = tpu.memref_slice %arg6[%dma_start3A_293, %dma_start3A_294, %dma_start3A_295, %dma_start3A_296] : memref<4x2x200x64xf32, #tpu.memory_space<vmem>> -> memref<1x1x200x64xf32, #tpu.memory_space<vmem>>
      %dma_start3A_298 = tpu.memref_squeeze %dma_start3A_297 : memref<1x1x200x64xf32, #tpu.memory_space<vmem>> -> memref<200x64xf32, #tpu.memory_space<vmem>>
      %dma_start3A_299 = arith.constant 0 : i32
      %dma_start3A_300 = tpu.memref_slice %arg4[%select_n3A_292, %dma_start3A_299] : memref<102400x128xf32, #tpu.memory_space<hbm>> -> memref<200x64xf32, #tpu.memory_space<hbm>>
      %dma_start3A_301 = arith.constant 0 : i32
      %dma_start3A_302 = tpu.memref_slice %arg4[%select_n3A_292, %dma_start3A_301] : memref<102400x128xf32, #tpu.memory_space<hbm>> -> memref<200x64xf32, #tpu.memory_space<hbm>>
      %dma_start3A_303 = arith.constant 0 : i32
      %dma_start3A_304 = arith.constant 0 : i32
      %dma_start3A_305 = tpu.memref_slice %arg6[%dma_start3A_293, %dma_start3A_294, %dma_start3A_303, %dma_start3A_304] : memref<4x2x200x64xf32, #tpu.memory_space<vmem>> -> memref<1x1x200x64xf32, #tpu.memory_space<vmem>>
      %dma_start3A_306 = tpu.memref_squeeze %dma_start3A_305 : memref<1x1x200x64xf32, #tpu.memory_space<vmem>> -> memref<200x64xf32, #tpu.memory_space<vmem>>
      tpu.enqueue_dma source(%dma_start3A_306 : memref<200x64xf32, #tpu.memory_space<vmem>>) target(%dma_start3A_302 : memref<200x64xf32, #tpu.memory_space<hbm>>) target_semaphore(%arg12 : memref<!tpu.dma_semaphore, #tpu.memory_space<semaphore_mem>>)
      %mul3A_307 = arith.constant 8 : i32
      %mul3A_308 = arith.muli %add3A_235, %mul3A_307 : i32
      %add3A_309 = arith.addi %mul3A_2, %mul3A_308 : i32
      %mul3A_310 = arith.constant 50 : i32
      %mul3A_311 = arith.muli %add3A_309, %mul3A_310 : i32
      %mul3A_312 = arith.constant 64 : i32
      %mul3A_313 = arith.muli %mul3A_311, %mul3A_312 : i32
      %jit3A_314 = arith.constant 128 : i32
      %div3A_315 = arith.divsi %mul3A_313, %jit3A_314 : i32
      %sign3A_316 = arith.constant 0 : i32
      %sign3A_317 = arith.cmpi sgt, %mul3A_313, %sign3A_316 : i32
      %sign3A_318 = arith.extui %sign3A_317 : i1 to i32
      %sign3A_319 = arith.constant 0 : i32
      %sign3A_320 = arith.cmpi slt, %mul3A_313, %sign3A_319 : i32
      %sign3A_321 = arith.extui %sign3A_320 : i1 to i32
      %sign3A_322 = arith.subi %sign3A_318, %sign3A_321 : i32
      %sign3A_323 = arith.constant 0 : i32
      %sign3A_324 = arith.cmpi sgt, %jit3A_314, %sign3A_323 : i32
      %sign3A_325 = arith.extui %sign3A_324 : i1 to i32
      %sign3A_326 = arith.constant 0 : i32
      %sign3A_327 = arith.cmpi slt, %jit3A_314, %sign3A_326 : i32
      %sign3A_328 = arith.extui %sign3A_327 : i1 to i32
      %sign3A_329 = arith.subi %sign3A_325, %sign3A_328 : i32
      %ne3A_330 = arith.cmpi ne, %sign3A_322, %sign3A_329 : i32
      %rem3A_331 = arith.remsi %mul3A_313, %jit3A_314 : i32
      %ne3A_332 = arith.constant 0 : i32
      %ne3A_333 = arith.cmpi ne, %rem3A_331, %ne3A_332 : i32
      %and3A_334 = arith.andi %ne3A_330, %ne3A_333 : i1
      %sub3A_335 = arith.constant 1 : i32
      %sub3A_336 = arith.subi %div3A_315, %sub3A_335 : i32
      %select_n3A_337 = arith.select %and3A_334, %sub3A_336, %div3A_315 : i32
      %dma_start3A_338 = arith.constant 1 : i32
      %dma_start3A_339 = arith.constant 1 : i32
      %dma_start3A_340 = arith.constant 0 : i32
      %dma_start3A_341 = arith.constant 0 : i32
      %dma_start3A_342 = tpu.memref_slice %arg6[%dma_start3A_338, %dma_start3A_339, %dma_start3A_340, %dma_start3A_341] : memref<4x2x200x64xf32, #tpu.memory_space<vmem>> -> memref<1x1x200x64xf32, #tpu.memory_space<vmem>>
      %dma_start3A_343 = tpu.memref_squeeze %dma_start3A_342 : memref<1x1x200x64xf32, #tpu.memory_space<vmem>> -> memref<200x64xf32, #tpu.memory_space<vmem>>
      %dma_start3A_344 = arith.constant 64 : i32
      %dma_start3A_345 = tpu.memref_slice %arg4[%select_n3A_337, %dma_start3A_344] : memref<102400x128xf32, #tpu.memory_space<hbm>> -> memref<200x64xf32, #tpu.memory_space<hbm>>
      %dma_start3A_346 = arith.constant 64 : i32
      %dma_start3A_347 = tpu.memref_slice %arg4[%select_n3A_337, %dma_start3A_346] : memref<102400x128xf32, #tpu.memory_space<hbm>> -> memref<200x64xf32, #tpu.memory_space<hbm>>
      %dma_start3A_348 = arith.constant 0 : i32
      %dma_start3A_349 = arith.constant 0 : i32
      %dma_start3A_350 = tpu.memref_slice %arg6[%dma_start3A_338, %dma_start3A_339, %dma_start3A_348, %dma_start3A_349] : memref<4x2x200x64xf32, #tpu.memory_space<vmem>> -> memref<1x1x200x64xf32, #tpu.memory_space<vmem>>
      %dma_start3A_351 = tpu.memref_squeeze %dma_start3A_350 : memref<1x1x200x64xf32, #tpu.memory_space<vmem>> -> memref<200x64xf32, #tpu.memory_space<vmem>>
      tpu.enqueue_dma source(%dma_start3A_351 : memref<200x64xf32, #tpu.memory_space<vmem>>) target(%dma_start3A_347 : memref<200x64xf32, #tpu.memory_space<hbm>>) target_semaphore(%arg12 : memref<!tpu.dma_semaphore, #tpu.memory_space<semaphore_mem>>)
      %add3A_352 = arith.constant 2 : i32
      %add3A_353 = arith.addi %mul3A_124, %add3A_352 : i32
      %dma_wait3A_354 = arith.constant 0 : i32
      %dma_wait3A_355 = arith.constant 2 : i32
      %dma_wait3A_356 = arith.constant 0 : i32
      %dma_wait3A_357 = arith.constant 0 : i32
      %dma_wait3A_358 = arith.constant 0 : i32
      %dma_wait3A_359 = tpu.memref_slice %arg6[%dma_wait3A_355, %dma_wait3A_356, %dma_wait3A_357, %dma_wait3A_358] : memref<4x2x200x64xf32, #tpu.memory_space<vmem>> -> memref<1x1x200x64xf32, #tpu.memory_space<vmem>>
      %dma_wait3A_360 = tpu.memref_squeeze %dma_wait3A_359 : memref<1x1x200x64xf32, #tpu.memory_space<vmem>> -> memref<200x64xf32, #tpu.memory_space<vmem>>
      %dma_wait3A_361 = arith.constant 0 : i32
      %dma_wait3A_362 = tpu.memref_slice %arg5[%dma_wait3A_354, %add3A_353, %dma_wait3A_361] : memref<2x16x200xi32, #tpu.memory_space<vmem>> -> memref<1x1x200xi32, #tpu.memory_space<vmem>>
      %dma_wait3A_363 = tpu.memref_squeeze %dma_wait3A_362 : memref<1x1x200xi32, #tpu.memory_space<vmem>> -> memref<200xi32, #tpu.memory_space<vmem>>
      %dma_wait3A_364 = arith.constant 0 : i32
      %dma_wait3A_365 = arith.constant 0 : i32
      %dma_wait3A_366 = tpu.memref_slice %arg3[%dma_wait3A_364, %dma_wait3A_365] : memref<100000x64xf32, #tpu.memory_space<hbm>> -> memref<100000x64xf32, #tpu.memory_space<hbm>>
      tpu.wait_indirect_dma semaphore(%arg9 : memref<!tpu.dma_semaphore, #tpu.memory_space<semaphore_mem>>) src(%dma_wait3A_366 : memref<100000x64xf32, #tpu.memory_space<hbm>>) dst(%dma_wait3A_360 : memref<200x64xf32, #tpu.memory_space<vmem>>)
      %dma_wait3A_367 = arith.constant 1 : i32
      %dma_wait3A_368 = arith.constant 2 : i32
      %dma_wait3A_369 = arith.constant 1 : i32
      %dma_wait3A_370 = arith.constant 0 : i32
      %dma_wait3A_371 = arith.constant 0 : i32
      %dma_wait3A_372 = tpu.memref_slice %arg6[%dma_wait3A_368, %dma_wait3A_369, %dma_wait3A_370, %dma_wait3A_371] : memref<4x2x200x64xf32, #tpu.memory_space<vmem>> -> memref<1x1x200x64xf32, #tpu.memory_space<vmem>>
      %dma_wait3A_373 = tpu.memref_squeeze %dma_wait3A_372 : memref<1x1x200x64xf32, #tpu.memory_space<vmem>> -> memref<200x64xf32, #tpu.memory_space<vmem>>
      %dma_wait3A_374 = arith.constant 0 : i32
      %dma_wait3A_375 = tpu.memref_slice %arg5[%dma_wait3A_367, %add3A_353, %dma_wait3A_374] : memref<2x16x200xi32, #tpu.memory_space<vmem>> -> memref<1x1x200xi32, #tpu.memory_space<vmem>>
      %dma_wait3A_376 = tpu.memref_squeeze %dma_wait3A_375 : memref<1x1x200xi32, #tpu.memory_space<vmem>> -> memref<200xi32, #tpu.memory_space<vmem>>
      %dma_wait3A_377 = arith.constant 0 : i32
      %dma_wait3A_378 = arith.constant 0 : i32
      %dma_wait3A_379 = tpu.memref_slice %arg3[%dma_wait3A_377, %dma_wait3A_378] : memref<100000x64xf32, #tpu.memory_space<hbm>> -> memref<100000x64xf32, #tpu.memory_space<hbm>>
      tpu.wait_indirect_dma semaphore(%arg9 : memref<!tpu.dma_semaphore, #tpu.memory_space<semaphore_mem>>) src(%dma_wait3A_379 : memref<100000x64xf32, #tpu.memory_space<hbm>>) dst(%dma_wait3A_373 : memref<200x64xf32, #tpu.memory_space<vmem>>)
      %mul3A_380 = arith.constant 8 : i32
      %mul3A_381 = arith.muli %add3A_353, %mul3A_380 : i32
      %add3A_382 = arith.addi %mul3A_2, %mul3A_381 : i32
      %mul3A_383 = arith.constant 50 : i32
      %mul3A_384 = arith.muli %add3A_382, %mul3A_383 : i32
      %mul3A_385 = arith.constant 64 : i32
      %mul3A_386 = arith.muli %mul3A_384, %mul3A_385 : i32
      %jit3A_387 = arith.constant 128 : i32
      %div3A_388 = arith.divsi %mul3A_386, %jit3A_387 : i32
      %sign3A_389 = arith.constant 0 : i32
      %sign3A_390 = arith.cmpi sgt, %mul3A_386, %sign3A_389 : i32
      %sign3A_391 = arith.extui %sign3A_390 : i1 to i32
      %sign3A_392 = arith.constant 0 : i32
      %sign3A_393 = arith.cmpi slt, %mul3A_386, %sign3A_392 : i32
      %sign3A_394 = arith.extui %sign3A_393 : i1 to i32
      %sign3A_395 = arith.subi %sign3A_391, %sign3A_394 : i32
      %sign3A_396 = arith.constant 0 : i32
      %sign3A_397 = arith.cmpi sgt, %jit3A_387, %sign3A_396 : i32
      %sign3A_398 = arith.extui %sign3A_397 : i1 to i32
      %sign3A_399 = arith.constant 0 : i32
      %sign3A_400 = arith.cmpi slt, %jit3A_387, %sign3A_399 : i32
      %sign3A_401 = arith.extui %sign3A_400 : i1 to i32
      %sign3A_402 = arith.subi %sign3A_398, %sign3A_401 : i32
      %ne3A_403 = arith.cmpi ne, %sign3A_395, %sign3A_402 : i32
      %rem3A_404 = arith.remsi %mul3A_386, %jit3A_387 : i32
      %ne3A_405 = arith.constant 0 : i32
      %ne3A_406 = arith.cmpi ne, %rem3A_404, %ne3A_405 : i32
      %and3A_407 = arith.andi %ne3A_403, %ne3A_406 : i1
      %sub3A_408 = arith.constant 1 : i32
      %sub3A_409 = arith.subi %div3A_388, %sub3A_408 : i32
      %select_n3A_410 = arith.select %and3A_407, %sub3A_409, %div3A_388 : i32
      %dma_start3A_411 = arith.constant 2 : i32
      %dma_start3A_412 = arith.constant 0 : i32
      %dma_start3A_413 = arith.constant 0 : i32
      %dma_start3A_414 = arith.constant 0 : i32
      %dma_start3A_415 = tpu.memref_slice %arg6[%dma_start3A_411, %dma_start3A_412, %dma_start3A_413, %dma_start3A_414] : memref<4x2x200x64xf32, #tpu.memory_space<vmem>> -> memref<1x1x200x64xf32, #tpu.memory_space<vmem>>
      %dma_start3A_416 = tpu.memref_squeeze %dma_start3A_415 : memref<1x1x200x64xf32, #tpu.memory_space<vmem>> -> memref<200x64xf32, #tpu.memory_space<vmem>>
      %dma_start3A_417 = arith.constant 0 : i32
      %dma_start3A_418 = tpu.memref_slice %arg4[%select_n3A_410, %dma_start3A_417] : memref<102400x128xf32, #tpu.memory_space<hbm>> -> memref<200x64xf32, #tpu.memory_space<hbm>>
      %dma_start3A_419 = arith.constant 0 : i32
      %dma_start3A_420 = tpu.memref_slice %arg4[%select_n3A_410, %dma_start3A_419] : memref<102400x128xf32, #tpu.memory_space<hbm>> -> memref<200x64xf32, #tpu.memory_space<hbm>>
      %dma_start3A_421 = arith.constant 0 : i32
      %dma_start3A_422 = arith.constant 0 : i32
      %dma_start3A_423 = tpu.memref_slice %arg6[%dma_start3A_411, %dma_start3A_412, %dma_start3A_421, %dma_start3A_422] : memref<4x2x200x64xf32, #tpu.memory_space<vmem>> -> memref<1x1x200x64xf32, #tpu.memory_space<vmem>>
      %dma_start3A_424 = tpu.memref_squeeze %dma_start3A_423 : memref<1x1x200x64xf32, #tpu.memory_space<vmem>> -> memref<200x64xf32, #tpu.memory_space<vmem>>
      tpu.enqueue_dma source(%dma_start3A_424 : memref<200x64xf32, #tpu.memory_space<vmem>>) target(%dma_start3A_420 : memref<200x64xf32, #tpu.memory_space<hbm>>) target_semaphore(%arg13 : memref<!tpu.dma_semaphore, #tpu.memory_space<semaphore_mem>>)
      %mul3A_425 = arith.constant 8 : i32
      %mul3A_426 = arith.muli %add3A_353, %mul3A_425 : i32
      %add3A_427 = arith.addi %mul3A_2, %mul3A_426 : i32
      %mul3A_428 = arith.constant 50 : i32
      %mul3A_429 = arith.muli %add3A_427, %mul3A_428 : i32
      %mul3A_430 = arith.constant 64 : i32
      %mul3A_431 = arith.muli %mul3A_429, %mul3A_430 : i32
      %jit3A_432 = arith.constant 128 : i32
      %div3A_433 = arith.divsi %mul3A_431, %jit3A_432 : i32
      %sign3A_434 = arith.constant 0 : i32
      %sign3A_435 = arith.cmpi sgt, %mul3A_431, %sign3A_434 : i32
      %sign3A_436 = arith.extui %sign3A_435 : i1 to i32
      %sign3A_437 = arith.constant 0 : i32
      %sign3A_438 = arith.cmpi slt, %mul3A_431, %sign3A_437 : i32
      %sign3A_439 = arith.extui %sign3A_438 : i1 to i32
      %sign3A_440 = arith.subi %sign3A_436, %sign3A_439 : i32
      %sign3A_441 = arith.constant 0 : i32
      %sign3A_442 = arith.cmpi sgt, %jit3A_432, %sign3A_441 : i32
      %sign3A_443 = arith.extui %sign3A_442 : i1 to i32
      %sign3A_444 = arith.constant 0 : i32
      %sign3A_445 = arith.cmpi slt, %jit3A_432, %sign3A_444 : i32
      %sign3A_446 = arith.extui %sign3A_445 : i1 to i32
      %sign3A_447 = arith.subi %sign3A_443, %sign3A_446 : i32
      %ne3A_448 = arith.cmpi ne, %sign3A_440, %sign3A_447 : i32
      %rem3A_449 = arith.remsi %mul3A_431, %jit3A_432 : i32
      %ne3A_450 = arith.constant 0 : i32
      %ne3A_451 = arith.cmpi ne, %rem3A_449, %ne3A_450 : i32
      %and3A_452 = arith.andi %ne3A_448, %ne3A_451 : i1
      %sub3A_453 = arith.constant 1 : i32
      %sub3A_454 = arith.subi %div3A_433, %sub3A_453 : i32
      %select_n3A_455 = arith.select %and3A_452, %sub3A_454, %div3A_433 : i32
      %dma_start3A_456 = arith.constant 2 : i32
      %dma_start3A_457 = arith.constant 1 : i32
      %dma_start3A_458 = arith.constant 0 : i32
      %dma_start3A_459 = arith.constant 0 : i32
      %dma_start3A_460 = tpu.memref_slice %arg6[%dma_start3A_456, %dma_start3A_457, %dma_start3A_458, %dma_start3A_459] : memref<4x2x200x64xf32, #tpu.memory_space<vmem>> -> memref<1x1x200x64xf32, #tpu.memory_space<vmem>>
      %dma_start3A_461 = tpu.memref_squeeze %dma_start3A_460 : memref<1x1x200x64xf32, #tpu.memory_space<vmem>> -> memref<200x64xf32, #tpu.memory_space<vmem>>
      %dma_start3A_462 = arith.constant 64 : i32
      %dma_start3A_463 = tpu.memref_slice %arg4[%select_n3A_455, %dma_start3A_462] : memref<102400x128xf32, #tpu.memory_space<hbm>> -> memref<200x64xf32, #tpu.memory_space<hbm>>
      %dma_start3A_464 = arith.constant 64 : i32
      %dma_start3A_465 = tpu.memref_slice %arg4[%select_n3A_455, %dma_start3A_464] : memref<102400x128xf32, #tpu.memory_space<hbm>> -> memref<200x64xf32, #tpu.memory_space<hbm>>
      %dma_start3A_466 = arith.constant 0 : i32
      %dma_start3A_467 = arith.constant 0 : i32
      %dma_start3A_468 = tpu.memref_slice %arg6[%dma_start3A_456, %dma_start3A_457, %dma_start3A_466, %dma_start3A_467] : memref<4x2x200x64xf32, #tpu.memory_space<vmem>> -> memref<1x1x200x64xf32, #tpu.memory_space<vmem>>
      %dma_start3A_469 = tpu.memref_squeeze %dma_start3A_468 : memref<1x1x200x64xf32, #tpu.memory_space<vmem>> -> memref<200x64xf32, #tpu.memory_space<vmem>>
      tpu.enqueue_dma source(%dma_start3A_469 : memref<200x64xf32, #tpu.memory_space<vmem>>) target(%dma_start3A_465 : memref<200x64xf32, #tpu.memory_space<hbm>>) target_semaphore(%arg13 : memref<!tpu.dma_semaphore, #tpu.memory_space<semaphore_mem>>)
      %add3A_470 = arith.constant 3 : i32
      %add3A_471 = arith.addi %mul3A_124, %add3A_470 : i32
      %dma_wait3A_472 = arith.constant 0 : i32
      %dma_wait3A_473 = arith.constant 3 : i32
      %dma_wait3A_474 = arith.constant 0 : i32
      %dma_wait3A_475 = arith.constant 0 : i32
      %dma_wait3A_476 = arith.constant 0 : i32
      %dma_wait3A_477 = tpu.memref_slice %arg6[%dma_wait3A_473, %dma_wait3A_474, %dma_wait3A_475, %dma_wait3A_476] : memref<4x2x200x64xf32, #tpu.memory_space<vmem>> -> memref<1x1x200x64xf32, #tpu.memory_space<vmem>>
      %dma_wait3A_478 = tpu.memref_squeeze %dma_wait3A_477 : memref<1x1x200x64xf32, #tpu.memory_space<vmem>> -> memref<200x64xf32, #tpu.memory_space<vmem>>
      %dma_wait3A_479 = arith.constant 0 : i32
      %dma_wait3A_480 = tpu.memref_slice %arg5[%dma_wait3A_472, %add3A_471, %dma_wait3A_479] : memref<2x16x200xi32, #tpu.memory_space<vmem>> -> memref<1x1x200xi32, #tpu.memory_space<vmem>>
      %dma_wait3A_481 = tpu.memref_squeeze %dma_wait3A_480 : memref<1x1x200xi32, #tpu.memory_space<vmem>> -> memref<200xi32, #tpu.memory_space<vmem>>
      %dma_wait3A_482 = arith.constant 0 : i32
      %dma_wait3A_483 = arith.constant 0 : i32
      %dma_wait3A_484 = tpu.memref_slice %arg3[%dma_wait3A_482, %dma_wait3A_483] : memref<100000x64xf32, #tpu.memory_space<hbm>> -> memref<100000x64xf32, #tpu.memory_space<hbm>>
      tpu.wait_indirect_dma semaphore(%arg10 : memref<!tpu.dma_semaphore, #tpu.memory_space<semaphore_mem>>) src(%dma_wait3A_484 : memref<100000x64xf32, #tpu.memory_space<hbm>>) dst(%dma_wait3A_478 : memref<200x64xf32, #tpu.memory_space<vmem>>)
      %dma_wait3A_485 = arith.constant 1 : i32
      %dma_wait3A_486 = arith.constant 3 : i32
      %dma_wait3A_487 = arith.constant 1 : i32
      %dma_wait3A_488 = arith.constant 0 : i32
      %dma_wait3A_489 = arith.constant 0 : i32
      %dma_wait3A_490 = tpu.memref_slice %arg6[%dma_wait3A_486, %dma_wait3A_487, %dma_wait3A_488, %dma_wait3A_489] : memref<4x2x200x64xf32, #tpu.memory_space<vmem>> -> memref<1x1x200x64xf32, #tpu.memory_space<vmem>>
      %dma_wait3A_491 = tpu.memref_squeeze %dma_wait3A_490 : memref<1x1x200x64xf32, #tpu.memory_space<vmem>> -> memref<200x64xf32, #tpu.memory_space<vmem>>
      %dma_wait3A_492 = arith.constant 0 : i32
      %dma_wait3A_493 = tpu.memref_slice %arg5[%dma_wait3A_485, %add3A_471, %dma_wait3A_492] : memref<2x16x200xi32, #tpu.memory_space<vmem>> -> memref<1x1x200xi32, #tpu.memory_space<vmem>>
      %dma_wait3A_494 = tpu.memref_squeeze %dma_wait3A_493 : memref<1x1x200xi32, #tpu.memory_space<vmem>> -> memref<200xi32, #tpu.memory_space<vmem>>
      %dma_wait3A_495 = arith.constant 0 : i32
      %dma_wait3A_496 = arith.constant 0 : i32
      %dma_wait3A_497 = tpu.memref_slice %arg3[%dma_wait3A_495, %dma_wait3A_496] : memref<100000x64xf32, #tpu.memory_space<hbm>> -> memref<100000x64xf32, #tpu.memory_space<hbm>>
      tpu.wait_indirect_dma semaphore(%arg10 : memref<!tpu.dma_semaphore, #tpu.memory_space<semaphore_mem>>) src(%dma_wait3A_497 : memref<100000x64xf32, #tpu.memory_space<hbm>>) dst(%dma_wait3A_491 : memref<200x64xf32, #tpu.memory_space<vmem>>)
      %mul3A_498 = arith.constant 8 : i32
      %mul3A_499 = arith.muli %add3A_471, %mul3A_498 : i32
      %add3A_500 = arith.addi %mul3A_2, %mul3A_499 : i32
      %mul3A_501 = arith.constant 50 : i32
      %mul3A_502 = arith.muli %add3A_500, %mul3A_501 : i32
      %mul3A_503 = arith.constant 64 : i32
      %mul3A_504 = arith.muli %mul3A_502, %mul3A_503 : i32
      %jit3A_505 = arith.constant 128 : i32
      %div3A_506 = arith.divsi %mul3A_504, %jit3A_505 : i32
      %sign3A_507 = arith.constant 0 : i32
      %sign3A_508 = arith.cmpi sgt, %mul3A_504, %sign3A_507 : i32
      %sign3A_509 = arith.extui %sign3A_508 : i1 to i32
      %sign3A_510 = arith.constant 0 : i32
      %sign3A_511 = arith.cmpi slt, %mul3A_504, %sign3A_510 : i32
      %sign3A_512 = arith.extui %sign3A_511 : i1 to i32
      %sign3A_513 = arith.subi %sign3A_509, %sign3A_512 : i32
      %sign3A_514 = arith.constant 0 : i32
      %sign3A_515 = arith.cmpi sgt, %jit3A_505, %sign3A_514 : i32
      %sign3A_516 = arith.extui %sign3A_515 : i1 to i32
      %sign3A_517 = arith.constant 0 : i32
      %sign3A_518 = arith.cmpi slt, %jit3A_505, %sign3A_517 : i32
      %sign3A_519 = arith.extui %sign3A_518 : i1 to i32
      %sign3A_520 = arith.subi %sign3A_516, %sign3A_519 : i32
      %ne3A_521 = arith.cmpi ne, %sign3A_513, %sign3A_520 : i32
      %rem3A_522 = arith.remsi %mul3A_504, %jit3A_505 : i32
      %ne3A_523 = arith.constant 0 : i32
      %ne3A_524 = arith.cmpi ne, %rem3A_522, %ne3A_523 : i32
      %and3A_525 = arith.andi %ne3A_521, %ne3A_524 : i1
      %sub3A_526 = arith.constant 1 : i32
      %sub3A_527 = arith.subi %div3A_506, %sub3A_526 : i32
      %select_n3A_528 = arith.select %and3A_525, %sub3A_527, %div3A_506 : i32
      %dma_start3A_529 = arith.constant 3 : i32
      %dma_start3A_530 = arith.constant 0 : i32
      %dma_start3A_531 = arith.constant 0 : i32
      %dma_start3A_532 = arith.constant 0 : i32
      %dma_start3A_533 = tpu.memref_slice %arg6[%dma_start3A_529, %dma_start3A_530, %dma_start3A_531, %dma_start3A_532] : memref<4x2x200x64xf32, #tpu.memory_space<vmem>> -> memref<1x1x200x64xf32, #tpu.memory_space<vmem>>
      %dma_start3A_534 = tpu.memref_squeeze %dma_start3A_533 : memref<1x1x200x64xf32, #tpu.memory_space<vmem>> -> memref<200x64xf32, #tpu.memory_space<vmem>>
      %dma_start3A_535 = arith.constant 0 : i32
      %dma_start3A_536 = tpu.memref_slice %arg4[%select_n3A_528, %dma_start3A_535] : memref<102400x128xf32, #tpu.memory_space<hbm>> -> memref<200x64xf32, #tpu.memory_space<hbm>>
      %dma_start3A_537 = arith.constant 0 : i32
      %dma_start3A_538 = tpu.memref_slice %arg4[%select_n3A_528, %dma_start3A_537] : memref<102400x128xf32, #tpu.memory_space<hbm>> -> memref<200x64xf32, #tpu.memory_space<hbm>>
      %dma_start3A_539 = arith.constant 0 : i32
      %dma_start3A_540 = arith.constant 0 : i32
      %dma_start3A_541 = tpu.memref_slice %arg6[%dma_start3A_529, %dma_start3A_530, %dma_start3A_539, %dma_start3A_540] : memref<4x2x200x64xf32, #tpu.memory_space<vmem>> -> memref<1x1x200x64xf32, #tpu.memory_space<vmem>>
      %dma_start3A_542 = tpu.memref_squeeze %dma_start3A_541 : memref<1x1x200x64xf32, #tpu.memory_space<vmem>> -> memref<200x64xf32, #tpu.memory_space<vmem>>
      tpu.enqueue_dma source(%dma_start3A_542 : memref<200x64xf32, #tpu.memory_space<vmem>>) target(%dma_start3A_538 : memref<200x64xf32, #tpu.memory_space<hbm>>) target_semaphore(%arg14 : memref<!tpu.dma_semaphore, #tpu.memory_space<semaphore_mem>>)
      %mul3A_543 = arith.constant 8 : i32
      %mul3A_544 = arith.muli %add3A_471, %mul3A_543 : i32
      %add3A_545 = arith.addi %mul3A_2, %mul3A_544 : i32
      %mul3A_546 = arith.constant 50 : i32
      %mul3A_547 = arith.muli %add3A_545, %mul3A_546 : i32
      %mul3A_548 = arith.constant 64 : i32
      %mul3A_549 = arith.muli %mul3A_547, %mul3A_548 : i32
      %jit3A_550 = arith.constant 128 : i32
      %div3A_551 = arith.divsi %mul3A_549, %jit3A_550 : i32
      %sign3A_552 = arith.constant 0 : i32
      %sign3A_553 = arith.cmpi sgt, %mul3A_549, %sign3A_552 : i32
      %sign3A_554 = arith.extui %sign3A_553 : i1 to i32
      %sign3A_555 = arith.constant 0 : i32
      %sign3A_556 = arith.cmpi slt, %mul3A_549, %sign3A_555 : i32
      %sign3A_557 = arith.extui %sign3A_556 : i1 to i32
      %sign3A_558 = arith.subi %sign3A_554, %sign3A_557 : i32
      %sign3A_559 = arith.constant 0 : i32
      %sign3A_560 = arith.cmpi sgt, %jit3A_550, %sign3A_559 : i32
      %sign3A_561 = arith.extui %sign3A_560 : i1 to i32
      %sign3A_562 = arith.constant 0 : i32
      %sign3A_563 = arith.cmpi slt, %jit3A_550, %sign3A_562 : i32
      %sign3A_564 = arith.extui %sign3A_563 : i1 to i32
      %sign3A_565 = arith.subi %sign3A_561, %sign3A_564 : i32
      %ne3A_566 = arith.cmpi ne, %sign3A_558, %sign3A_565 : i32
      %rem3A_567 = arith.remsi %mul3A_549, %jit3A_550 : i32
      %ne3A_568 = arith.constant 0 : i32
      %ne3A_569 = arith.cmpi ne, %rem3A_567, %ne3A_568 : i32
      %and3A_570 = arith.andi %ne3A_566, %ne3A_569 : i1
      %sub3A_571 = arith.constant 1 : i32
      %sub3A_572 = arith.subi %div3A_551, %sub3A_571 : i32
      %select_n3A_573 = arith.select %and3A_570, %sub3A_572, %div3A_551 : i32
      %dma_start3A_574 = arith.constant 3 : i32
      %dma_start3A_575 = arith.constant 1 : i32
      %dma_start3A_576 = arith.constant 0 : i32
      %dma_start3A_577 = arith.constant 0 : i32
      %dma_start3A_578 = tpu.memref_slice %arg6[%dma_start3A_574, %dma_start3A_575, %dma_start3A_576, %dma_start3A_577] : memref<4x2x200x64xf32, #tpu.memory_space<vmem>> -> memref<1x1x200x64xf32, #tpu.memory_space<vmem>>
      %dma_start3A_579 = tpu.memref_squeeze %dma_start3A_578 : memref<1x1x200x64xf32, #tpu.memory_space<vmem>> -> memref<200x64xf32, #tpu.memory_space<vmem>>
      %dma_start3A_580 = arith.constant 64 : i32
      %dma_start3A_581 = tpu.memref_slice %arg4[%select_n3A_573, %dma_start3A_580] : memref<102400x128xf32, #tpu.memory_space<hbm>> -> memref<200x64xf32, #tpu.memory_space<hbm>>
      %dma_start3A_582 = arith.constant 64 : i32
      %dma_start3A_583 = tpu.memref_slice %arg4[%select_n3A_573, %dma_start3A_582] : memref<102400x128xf32, #tpu.memory_space<hbm>> -> memref<200x64xf32, #tpu.memory_space<hbm>>
      %dma_start3A_584 = arith.constant 0 : i32
      %dma_start3A_585 = arith.constant 0 : i32
      %dma_start3A_586 = tpu.memref_slice %arg6[%dma_start3A_574, %dma_start3A_575, %dma_start3A_584, %dma_start3A_585] : memref<4x2x200x64xf32, #tpu.memory_space<vmem>> -> memref<1x1x200x64xf32, #tpu.memory_space<vmem>>
      %dma_start3A_587 = tpu.memref_squeeze %dma_start3A_586 : memref<1x1x200x64xf32, #tpu.memory_space<vmem>> -> memref<200x64xf32, #tpu.memory_space<vmem>>
      tpu.enqueue_dma source(%dma_start3A_587 : memref<200x64xf32, #tpu.memory_space<vmem>>) target(%dma_start3A_583 : memref<200x64xf32, #tpu.memory_space<hbm>>) target_semaphore(%arg14 : memref<!tpu.dma_semaphore, #tpu.memory_space<semaphore_mem>>)
      %add3A_588 = arith.constant 0 : i32
      %add3A_589 = arith.addi %mul3A_124, %add3A_588 : i32
      %mul3A_590 = arith.constant 8 : i32
      %mul3A_591 = arith.muli %add3A_589, %mul3A_590 : i32
      %add3A_592 = arith.addi %mul3A_2, %mul3A_591 : i32
      %mul3A_593 = arith.constant 50 : i32
      %mul3A_594 = arith.muli %add3A_592, %mul3A_593 : i32
      %mul3A_595 = arith.constant 64 : i32
      %mul3A_596 = arith.muli %mul3A_594, %mul3A_595 : i32
      %jit3A_597 = arith.constant 128 : i32
      %div3A_598 = arith.divsi %mul3A_596, %jit3A_597 : i32
      %sign3A_599 = arith.constant 0 : i32
      %sign3A_600 = arith.cmpi sgt, %mul3A_596, %sign3A_599 : i32
      %sign3A_601 = arith.extui %sign3A_600 : i1 to i32
      %sign3A_602 = arith.constant 0 : i32
      %sign3A_603 = arith.cmpi slt, %mul3A_596, %sign3A_602 : i32
      %sign3A_604 = arith.extui %sign3A_603 : i1 to i32
      %sign3A_605 = arith.subi %sign3A_601, %sign3A_604 : i32
      %sign3A_606 = arith.constant 0 : i32
      %sign3A_607 = arith.cmpi sgt, %jit3A_597, %sign3A_606 : i32
      %sign3A_608 = arith.extui %sign3A_607 : i1 to i32
      %sign3A_609 = arith.constant 0 : i32
      %sign3A_610 = arith.cmpi slt, %jit3A_597, %sign3A_609 : i32
      %sign3A_611 = arith.extui %sign3A_610 : i1 to i32
      %sign3A_612 = arith.subi %sign3A_608, %sign3A_611 : i32
      %ne3A_613 = arith.cmpi ne, %sign3A_605, %sign3A_612 : i32
      %rem3A_614 = arith.remsi %mul3A_596, %jit3A_597 : i32
      %ne3A_615 = arith.constant 0 : i32
      %ne3A_616 = arith.cmpi ne, %rem3A_614, %ne3A_615 : i32
      %and3A_617 = arith.andi %ne3A_613, %ne3A_616 : i1
      %sub3A_618 = arith.constant 1 : i32
      %sub3A_619 = arith.subi %div3A_598, %sub3A_618 : i32
      %select_n3A_620 = arith.select %and3A_617, %sub3A_619, %div3A_598 : i32
      %dma_wait3A_621 = arith.constant 0 : i32
      %dma_wait3A_622 = arith.constant 0 : i32
      %dma_wait3A_623 = arith.constant 0 : i32
      %dma_wait3A_624 = arith.constant 0 : i32
      %dma_wait3A_625 = tpu.memref_slice %arg6[%dma_wait3A_621, %dma_wait3A_622, %dma_wait3A_623, %dma_wait3A_624] : memref<4x2x200x64xf32, #tpu.memory_space<vmem>> -> memref<1x1x200x64xf32, #tpu.memory_space<vmem>>
      %dma_wait3A_626 = tpu.memref_squeeze %dma_wait3A_625 : memref<1x1x200x64xf32, #tpu.memory_space<vmem>> -> memref<200x64xf32, #tpu.memory_space<vmem>>
      %dma_wait3A_627 = arith.constant 0 : i32
      %dma_wait3A_628 = tpu.memref_slice %arg4[%select_n3A_620, %dma_wait3A_627] : memref<102400x128xf32, #tpu.memory_space<hbm>> -> memref<200x64xf32, #tpu.memory_space<hbm>>
      %dma_wait3A_629 = arith.constant 0 : i32
      %dma_wait3A_630 = tpu.memref_slice %arg4[%select_n3A_620, %dma_wait3A_629] : memref<102400x128xf32, #tpu.memory_space<hbm>> -> memref<200x64xf32, #tpu.memory_space<hbm>>
      %dma_wait3A_631 = arith.constant 0 : i32
      %dma_wait3A_632 = arith.constant 0 : i32
      %dma_wait3A_633 = tpu.memref_slice %arg6[%dma_wait3A_621, %dma_wait3A_622, %dma_wait3A_631, %dma_wait3A_632] : memref<4x2x200x64xf32, #tpu.memory_space<vmem>> -> memref<1x1x200x64xf32, #tpu.memory_space<vmem>>
      %dma_wait3A_634 = tpu.memref_squeeze %dma_wait3A_633 : memref<1x1x200x64xf32, #tpu.memory_space<vmem>> -> memref<200x64xf32, #tpu.memory_space<vmem>>
      tpu.wait_dma2 semaphore(%arg11 : memref<!tpu.dma_semaphore, #tpu.memory_space<semaphore_mem>>) src(%dma_wait3A_634 : memref<200x64xf32, #tpu.memory_space<vmem>>) dst(%dma_wait3A_630 : memref<200x64xf32, #tpu.memory_space<hbm>>)
      %mul3A_635 = arith.constant 8 : i32
      %mul3A_636 = arith.muli %add3A_589, %mul3A_635 : i32
      %add3A_637 = arith.addi %mul3A_2, %mul3A_636 : i32
      %mul3A_638 = arith.constant 50 : i32
      %mul3A_639 = arith.muli %add3A_637, %mul3A_638 : i32
      %mul3A_640 = arith.constant 64 : i32
      %mul3A_641 = arith.muli %mul3A_639, %mul3A_640 : i32
      %jit3A_642 = arith.constant 128 : i32
      %div3A_643 = arith.divsi %mul3A_641, %jit3A_642 : i32
      %sign3A_644 = arith.constant 0 : i32
      %sign3A_645 = arith.cmpi sgt, %mul3A_641, %sign3A_644 : i32
      %sign3A_646 = arith.extui %sign3A_645 : i1 to i32
      %sign3A_647 = arith.constant 0 : i32
      %sign3A_648 = arith.cmpi slt, %mul3A_641, %sign3A_647 : i32
      %sign3A_649 = arith.extui %sign3A_648 : i1 to i32
      %sign3A_650 = arith.subi %sign3A_646, %sign3A_649 : i32
      %sign3A_651 = arith.constant 0 : i32
      %sign3A_652 = arith.cmpi sgt, %jit3A_642, %sign3A_651 : i32
      %sign3A_653 = arith.extui %sign3A_652 : i1 to i32
      %sign3A_654 = arith.constant 0 : i32
      %sign3A_655 = arith.cmpi slt, %jit3A_642, %sign3A_654 : i32
      %sign3A_656 = arith.extui %sign3A_655 : i1 to i32
      %sign3A_657 = arith.subi %sign3A_653, %sign3A_656 : i32
      %ne3A_658 = arith.cmpi ne, %sign3A_650, %sign3A_657 : i32
      %rem3A_659 = arith.remsi %mul3A_641, %jit3A_642 : i32
      %ne3A_660 = arith.constant 0 : i32
      %ne3A_661 = arith.cmpi ne, %rem3A_659, %ne3A_660 : i32
      %and3A_662 = arith.andi %ne3A_658, %ne3A_661 : i1
      %sub3A_663 = arith.constant 1 : i32
      %sub3A_664 = arith.subi %div3A_643, %sub3A_663 : i32
      %select_n3A_665 = arith.select %and3A_662, %sub3A_664, %div3A_643 : i32
      %dma_wait3A_666 = arith.constant 0 : i32
      %dma_wait3A_667 = arith.constant 1 : i32
      %dma_wait3A_668 = arith.constant 0 : i32
      %dma_wait3A_669 = arith.constant 0 : i32
      %dma_wait3A_670 = tpu.memref_slice %arg6[%dma_wait3A_666, %dma_wait3A_667, %dma_wait3A_668, %dma_wait3A_669] : memref<4x2x200x64xf32, #tpu.memory_space<vmem>> -> memref<1x1x200x64xf32, #tpu.memory_space<vmem>>
      %dma_wait3A_671 = tpu.memref_squeeze %dma_wait3A_670 : memref<1x1x200x64xf32, #tpu.memory_space<vmem>> -> memref<200x64xf32, #tpu.memory_space<vmem>>
      %dma_wait3A_672 = arith.constant 64 : i32
      %dma_wait3A_673 = tpu.memref_slice %arg4[%select_n3A_665, %dma_wait3A_672] : memref<102400x128xf32, #tpu.memory_space<hbm>> -> memref<200x64xf32, #tpu.memory_space<hbm>>
      %dma_wait3A_674 = arith.constant 64 : i32
      %dma_wait3A_675 = tpu.memref_slice %arg4[%select_n3A_665, %dma_wait3A_674] : memref<102400x128xf32, #tpu.memory_space<hbm>> -> memref<200x64xf32, #tpu.memory_space<hbm>>
      %dma_wait3A_676 = arith.constant 0 : i32
      %dma_wait3A_677 = arith.constant 0 : i32
      %dma_wait3A_678 = tpu.memref_slice %arg6[%dma_wait3A_666, %dma_wait3A_667, %dma_wait3A_676, %dma_wait3A_677] : memref<4x2x200x64xf32, #tpu.memory_space<vmem>> -> memref<1x1x200x64xf32, #tpu.memory_space<vmem>>
      %dma_wait3A_679 = tpu.memref_squeeze %dma_wait3A_678 : memref<1x1x200x64xf32, #tpu.memory_space<vmem>> -> memref<200x64xf32, #tpu.memory_space<vmem>>
      tpu.wait_dma2 semaphore(%arg11 : memref<!tpu.dma_semaphore, #tpu.memory_space<semaphore_mem>>) src(%dma_wait3A_679 : memref<200x64xf32, #tpu.memory_space<vmem>>) dst(%dma_wait3A_675 : memref<200x64xf32, #tpu.memory_space<hbm>>)
      %add3A_680 = arith.constant 4 : i32
      %add3A_681 = arith.addi %add3A_589, %add3A_680 : i32
      %lt3A = arith.constant 16 : i32
      %lt3A_682 = arith.cmpi slt, %add3A_681, %lt3A : i32
      %convert_element_type3A = arith.extui %lt3A_682 : i1 to i32
      %cond3A = arith.constant 0 : i32
      %cond3A_683 = arith.cmpi ne, %convert_element_type3A, %cond3A : i32
      scf.if %cond3A_683 {
        %add3A_981 = arith.constant 4 : i32
        %add3A_982 = arith.addi %add3A_589, %add3A_981 : i32
        %dma_start3A_983 = arith.constant 0 : i32
        %dma_start3A_984 = arith.constant 0 : i32
        %dma_start3A_985 = arith.constant 0 : i32
        %dma_start3A_986 = arith.constant 0 : i32
        %dma_start3A_987 = arith.constant 0 : i32
        %dma_start3A_988 = tpu.memref_slice %arg6[%dma_start3A_984, %dma_start3A_985, %dma_start3A_986, %dma_start3A_987] : memref<4x2x200x64xf32, #tpu.memory_space<vmem>> -> memref<1x1x200x64xf32, #tpu.memory_space<vmem>>
        %dma_start3A_989 = tpu.memref_squeeze %dma_start3A_988 : memref<1x1x200x64xf32, #tpu.memory_space<vmem>> -> memref<200x64xf32, #tpu.memory_space<vmem>>
        %dma_start3A_990 = arith.constant 0 : i32
        %dma_start3A_991 = tpu.memref_slice %arg5[%dma_start3A_983, %add3A_982, %dma_start3A_990] : memref<2x16x200xi32, #tpu.memory_space<vmem>> -> memref<1x1x200xi32, #tpu.memory_space<vmem>>
        %dma_start3A_992 = tpu.memref_squeeze %dma_start3A_991 : memref<1x1x200xi32, #tpu.memory_space<vmem>> -> memref<200xi32, #tpu.memory_space<vmem>>
        %dma_start3A_993 = arith.constant 0 : i32
        %dma_start3A_994 = arith.constant 0 : i32
        %dma_start3A_995 = tpu.memref_slice %arg3[%dma_start3A_993, %dma_start3A_994] : memref<100000x64xf32, #tpu.memory_space<hbm>> -> memref<100000x64xf32, #tpu.memory_space<hbm>>
        tpu.enqueue_indirect_dma source(%dma_start3A_995 : memref<100000x64xf32, #tpu.memory_space<hbm>>) target(%dma_start3A_989 : memref<200x64xf32, #tpu.memory_space<vmem>>) offsets(%dma_start3A_992 : memref<200xi32, #tpu.memory_space<vmem>>) semaphore(%arg7 : memref<!tpu.dma_semaphore, #tpu.memory_space<semaphore_mem>>)
        %dma_start3A_996 = arith.constant 1 : i32
        %dma_start3A_997 = arith.constant 0 : i32
        %dma_start3A_998 = arith.constant 1 : i32
        %dma_start3A_999 = arith.constant 0 : i32
        %dma_start3A_1000 = arith.constant 0 : i32
        %dma_start3A_1001 = tpu.memref_slice %arg6[%dma_start3A_997, %dma_start3A_998, %dma_start3A_999, %dma_start3A_1000] : memref<4x2x200x64xf32, #tpu.memory_space<vmem>> -> memref<1x1x200x64xf32, #tpu.memory_space<vmem>>
        %dma_start3A_1002 = tpu.memref_squeeze %dma_start3A_1001 : memref<1x1x200x64xf32, #tpu.memory_space<vmem>> -> memref<200x64xf32, #tpu.memory_space<vmem>>
        %dma_start3A_1003 = arith.constant 0 : i32
        %dma_start3A_1004 = tpu.memref_slice %arg5[%dma_start3A_996, %add3A_982, %dma_start3A_1003] : memref<2x16x200xi32, #tpu.memory_space<vmem>> -> memref<1x1x200xi32, #tpu.memory_space<vmem>>
        %dma_start3A_1005 = tpu.memref_squeeze %dma_start3A_1004 : memref<1x1x200xi32, #tpu.memory_space<vmem>> -> memref<200xi32, #tpu.memory_space<vmem>>
        %dma_start3A_1006 = arith.constant 0 : i32
        %dma_start3A_1007 = arith.constant 0 : i32
        %dma_start3A_1008 = tpu.memref_slice %arg3[%dma_start3A_1006, %dma_start3A_1007] : memref<100000x64xf32, #tpu.memory_space<hbm>> -> memref<100000x64xf32, #tpu.memory_space<hbm>>
        tpu.enqueue_indirect_dma source(%dma_start3A_1008 : memref<100000x64xf32, #tpu.memory_space<hbm>>) target(%dma_start3A_1002 : memref<200x64xf32, #tpu.memory_space<vmem>>) offsets(%dma_start3A_1005 : memref<200xi32, #tpu.memory_space<vmem>>) semaphore(%arg7 : memref<!tpu.dma_semaphore, #tpu.memory_space<semaphore_mem>>)
      } else {
      }
      %add3A_684 = arith.constant 1 : i32
      %add3A_685 = arith.addi %mul3A_124, %add3A_684 : i32
      %mul3A_686 = arith.constant 8 : i32
      %mul3A_687 = arith.muli %add3A_685, %mul3A_686 : i32
      %add3A_688 = arith.addi %mul3A_2, %mul3A_687 : i32
      %mul3A_689 = arith.constant 50 : i32
      %mul3A_690 = arith.muli %add3A_688, %mul3A_689 : i32
      %mul3A_691 = arith.constant 64 : i32
      %mul3A_692 = arith.muli %mul3A_690, %mul3A_691 : i32
      %jit3A_693 = arith.constant 128 : i32
      %div3A_694 = arith.divsi %mul3A_692, %jit3A_693 : i32
      %sign3A_695 = arith.constant 0 : i32
      %sign3A_696 = arith.cmpi sgt, %mul3A_692, %sign3A_695 : i32
      %sign3A_697 = arith.extui %sign3A_696 : i1 to i32
      %sign3A_698 = arith.constant 0 : i32
      %sign3A_699 = arith.cmpi slt, %mul3A_692, %sign3A_698 : i32
      %sign3A_700 = arith.extui %sign3A_699 : i1 to i32
      %sign3A_701 = arith.subi %sign3A_697, %sign3A_700 : i32
      %sign3A_702 = arith.constant 0 : i32
      %sign3A_703 = arith.cmpi sgt, %jit3A_693, %sign3A_702 : i32
      %sign3A_704 = arith.extui %sign3A_703 : i1 to i32
      %sign3A_705 = arith.constant 0 : i32
      %sign3A_706 = arith.cmpi slt, %jit3A_693, %sign3A_705 : i32
      %sign3A_707 = arith.extui %sign3A_706 : i1 to i32
      %sign3A_708 = arith.subi %sign3A_704, %sign3A_707 : i32
      %ne3A_709 = arith.cmpi ne, %sign3A_701, %sign3A_708 : i32
      %rem3A_710 = arith.remsi %mul3A_692, %jit3A_693 : i32
      %ne3A_711 = arith.constant 0 : i32
      %ne3A_712 = arith.cmpi ne, %rem3A_710, %ne3A_711 : i32
      %and3A_713 = arith.andi %ne3A_709, %ne3A_712 : i1
      %sub3A_714 = arith.constant 1 : i32
      %sub3A_715 = arith.subi %div3A_694, %sub3A_714 : i32
      %select_n3A_716 = arith.select %and3A_713, %sub3A_715, %div3A_694 : i32
      %dma_wait3A_717 = arith.constant 1 : i32
      %dma_wait3A_718 = arith.constant 0 : i32
      %dma_wait3A_719 = arith.constant 0 : i32
      %dma_wait3A_720 = arith.constant 0 : i32
      %dma_wait3A_721 = tpu.memref_slice %arg6[%dma_wait3A_717, %dma_wait3A_718, %dma_wait3A_719, %dma_wait3A_720] : memref<4x2x200x64xf32, #tpu.memory_space<vmem>> -> memref<1x1x200x64xf32, #tpu.memory_space<vmem>>
      %dma_wait3A_722 = tpu.memref_squeeze %dma_wait3A_721 : memref<1x1x200x64xf32, #tpu.memory_space<vmem>> -> memref<200x64xf32, #tpu.memory_space<vmem>>
      %dma_wait3A_723 = arith.constant 0 : i32
      %dma_wait3A_724 = tpu.memref_slice %arg4[%select_n3A_716, %dma_wait3A_723] : memref<102400x128xf32, #tpu.memory_space<hbm>> -> memref<200x64xf32, #tpu.memory_space<hbm>>
      %dma_wait3A_725 = arith.constant 0 : i32
      %dma_wait3A_726 = tpu.memref_slice %arg4[%select_n3A_716, %dma_wait3A_725] : memref<102400x128xf32, #tpu.memory_space<hbm>> -> memref<200x64xf32, #tpu.memory_space<hbm>>
      %dma_wait3A_727 = arith.constant 0 : i32
      %dma_wait3A_728 = arith.constant 0 : i32
      %dma_wait3A_729 = tpu.memref_slice %arg6[%dma_wait3A_717, %dma_wait3A_718, %dma_wait3A_727, %dma_wait3A_728] : memref<4x2x200x64xf32, #tpu.memory_space<vmem>> -> memref<1x1x200x64xf32, #tpu.memory_space<vmem>>
      %dma_wait3A_730 = tpu.memref_squeeze %dma_wait3A_729 : memref<1x1x200x64xf32, #tpu.memory_space<vmem>> -> memref<200x64xf32, #tpu.memory_space<vmem>>
      tpu.wait_dma2 semaphore(%arg12 : memref<!tpu.dma_semaphore, #tpu.memory_space<semaphore_mem>>) src(%dma_wait3A_730 : memref<200x64xf32, #tpu.memory_space<vmem>>) dst(%dma_wait3A_726 : memref<200x64xf32, #tpu.memory_space<hbm>>)
      %mul3A_731 = arith.constant 8 : i32
      %mul3A_732 = arith.muli %add3A_685, %mul3A_731 : i32
      %add3A_733 = arith.addi %mul3A_2, %mul3A_732 : i32
      %mul3A_734 = arith.constant 50 : i32
      %mul3A_735 = arith.muli %add3A_733, %mul3A_734 : i32
      %mul3A_736 = arith.constant 64 : i32
      %mul3A_737 = arith.muli %mul3A_735, %mul3A_736 : i32
      %jit3A_738 = arith.constant 128 : i32
      %div3A_739 = arith.divsi %mul3A_737, %jit3A_738 : i32
      %sign3A_740 = arith.constant 0 : i32
      %sign3A_741 = arith.cmpi sgt, %mul3A_737, %sign3A_740 : i32
      %sign3A_742 = arith.extui %sign3A_741 : i1 to i32
      %sign3A_743 = arith.constant 0 : i32
      %sign3A_744 = arith.cmpi slt, %mul3A_737, %sign3A_743 : i32
      %sign3A_745 = arith.extui %sign3A_744 : i1 to i32
      %sign3A_746 = arith.subi %sign3A_742, %sign3A_745 : i32
      %sign3A_747 = arith.constant 0 : i32
      %sign3A_748 = arith.cmpi sgt, %jit3A_738, %sign3A_747 : i32
      %sign3A_749 = arith.extui %sign3A_748 : i1 to i32
      %sign3A_750 = arith.constant 0 : i32
      %sign3A_751 = arith.cmpi slt, %jit3A_738, %sign3A_750 : i32
      %sign3A_752 = arith.extui %sign3A_751 : i1 to i32
      %sign3A_753 = arith.subi %sign3A_749, %sign3A_752 : i32
      %ne3A_754 = arith.cmpi ne, %sign3A_746, %sign3A_753 : i32
      %rem3A_755 = arith.remsi %mul3A_737, %jit3A_738 : i32
      %ne3A_756 = arith.constant 0 : i32
      %ne3A_757 = arith.cmpi ne, %rem3A_755, %ne3A_756 : i32
      %and3A_758 = arith.andi %ne3A_754, %ne3A_757 : i1
      %sub3A_759 = arith.constant 1 : i32
      %sub3A_760 = arith.subi %div3A_739, %sub3A_759 : i32
      %select_n3A_761 = arith.select %and3A_758, %sub3A_760, %div3A_739 : i32
      %dma_wait3A_762 = arith.constant 1 : i32
      %dma_wait3A_763 = arith.constant 1 : i32
      %dma_wait3A_764 = arith.constant 0 : i32
      %dma_wait3A_765 = arith.constant 0 : i32
      %dma_wait3A_766 = tpu.memref_slice %arg6[%dma_wait3A_762, %dma_wait3A_763, %dma_wait3A_764, %dma_wait3A_765] : memref<4x2x200x64xf32, #tpu.memory_space<vmem>> -> memref<1x1x200x64xf32, #tpu.memory_space<vmem>>
      %dma_wait3A_767 = tpu.memref_squeeze %dma_wait3A_766 : memref<1x1x200x64xf32, #tpu.memory_space<vmem>> -> memref<200x64xf32, #tpu.memory_space<vmem>>
      %dma_wait3A_768 = arith.constant 64 : i32
      %dma_wait3A_769 = tpu.memref_slice %arg4[%select_n3A_761, %dma_wait3A_768] : memref<102400x128xf32, #tpu.memory_space<hbm>> -> memref<200x64xf32, #tpu.memory_space<hbm>>
      %dma_wait3A_770 = arith.constant 64 : i32
      %dma_wait3A_771 = tpu.memref_slice %arg4[%select_n3A_761, %dma_wait3A_770] : memref<102400x128xf32, #tpu.memory_space<hbm>> -> memref<200x64xf32, #tpu.memory_space<hbm>>
      %dma_wait3A_772 = arith.constant 0 : i32
      %dma_wait3A_773 = arith.constant 0 : i32
      %dma_wait3A_774 = tpu.memref_slice %arg6[%dma_wait3A_762, %dma_wait3A_763, %dma_wait3A_772, %dma_wait3A_773] : memref<4x2x200x64xf32, #tpu.memory_space<vmem>> -> memref<1x1x200x64xf32, #tpu.memory_space<vmem>>
      %dma_wait3A_775 = tpu.memref_squeeze %dma_wait3A_774 : memref<1x1x200x64xf32, #tpu.memory_space<vmem>> -> memref<200x64xf32, #tpu.memory_space<vmem>>
      tpu.wait_dma2 semaphore(%arg12 : memref<!tpu.dma_semaphore, #tpu.memory_space<semaphore_mem>>) src(%dma_wait3A_775 : memref<200x64xf32, #tpu.memory_space<vmem>>) dst(%dma_wait3A_771 : memref<200x64xf32, #tpu.memory_space<hbm>>)
      %add3A_776 = arith.constant 4 : i32
      %add3A_777 = arith.addi %add3A_685, %add3A_776 : i32
      %lt3A_778 = arith.constant 16 : i32
      %lt3A_779 = arith.cmpi slt, %add3A_777, %lt3A_778 : i32
      %convert_element_type3A_780 = arith.extui %lt3A_779 : i1 to i32
      %cond3A_781 = arith.constant 0 : i32
      %cond3A_782 = arith.cmpi ne, %convert_element_type3A_780, %cond3A_781 : i32
      scf.if %cond3A_782 {
        %add3A_981 = arith.constant 4 : i32
        %add3A_982 = arith.addi %add3A_685, %add3A_981 : i32
        %dma_start3A_983 = arith.constant 0 : i32
        %dma_start3A_984 = arith.constant 1 : i32
        %dma_start3A_985 = arith.constant 0 : i32
        %dma_start3A_986 = arith.constant 0 : i32
        %dma_start3A_987 = arith.constant 0 : i32
        %dma_start3A_988 = tpu.memref_slice %arg6[%dma_start3A_984, %dma_start3A_985, %dma_start3A_986, %dma_start3A_987] : memref<4x2x200x64xf32, #tpu.memory_space<vmem>> -> memref<1x1x200x64xf32, #tpu.memory_space<vmem>>
        %dma_start3A_989 = tpu.memref_squeeze %dma_start3A_988 : memref<1x1x200x64xf32, #tpu.memory_space<vmem>> -> memref<200x64xf32, #tpu.memory_space<vmem>>
        %dma_start3A_990 = arith.constant 0 : i32
        %dma_start3A_991 = tpu.memref_slice %arg5[%dma_start3A_983, %add3A_982, %dma_start3A_990] : memref<2x16x200xi32, #tpu.memory_space<vmem>> -> memref<1x1x200xi32, #tpu.memory_space<vmem>>
        %dma_start3A_992 = tpu.memref_squeeze %dma_start3A_991 : memref<1x1x200xi32, #tpu.memory_space<vmem>> -> memref<200xi32, #tpu.memory_space<vmem>>
        %dma_start3A_993 = arith.constant 0 : i32
        %dma_start3A_994 = arith.constant 0 : i32
        %dma_start3A_995 = tpu.memref_slice %arg3[%dma_start3A_993, %dma_start3A_994] : memref<100000x64xf32, #tpu.memory_space<hbm>> -> memref<100000x64xf32, #tpu.memory_space<hbm>>
        tpu.enqueue_indirect_dma source(%dma_start3A_995 : memref<100000x64xf32, #tpu.memory_space<hbm>>) target(%dma_start3A_989 : memref<200x64xf32, #tpu.memory_space<vmem>>) offsets(%dma_start3A_992 : memref<200xi32, #tpu.memory_space<vmem>>) semaphore(%arg8 : memref<!tpu.dma_semaphore, #tpu.memory_space<semaphore_mem>>)
        %dma_start3A_996 = arith.constant 1 : i32
        %dma_start3A_997 = arith.constant 1 : i32
        %dma_start3A_998 = arith.constant 1 : i32
        %dma_start3A_999 = arith.constant 0 : i32
        %dma_start3A_1000 = arith.constant 0 : i32
        %dma_start3A_1001 = tpu.memref_slice %arg6[%dma_start3A_997, %dma_start3A_998, %dma_start3A_999, %dma_start3A_1000] : memref<4x2x200x64xf32, #tpu.memory_space<vmem>> -> memref<1x1x200x64xf32, #tpu.memory_space<vmem>>
        %dma_start3A_1002 = tpu.memref_squeeze %dma_start3A_1001 : memref<1x1x200x64xf32, #tpu.memory_space<vmem>> -> memref<200x64xf32, #tpu.memory_space<vmem>>
        %dma_start3A_1003 = arith.constant 0 : i32
        %dma_start3A_1004 = tpu.memref_slice %arg5[%dma_start3A_996, %add3A_982, %dma_start3A_1003] : memref<2x16x200xi32, #tpu.memory_space<vmem>> -> memref<1x1x200xi32, #tpu.memory_space<vmem>>
        %dma_start3A_1005 = tpu.memref_squeeze %dma_start3A_1004 : memref<1x1x200xi32, #tpu.memory_space<vmem>> -> memref<200xi32, #tpu.memory_space<vmem>>
        %dma_start3A_1006 = arith.constant 0 : i32
        %dma_start3A_1007 = arith.constant 0 : i32
        %dma_start3A_1008 = tpu.memref_slice %arg3[%dma_start3A_1006, %dma_start3A_1007] : memref<100000x64xf32, #tpu.memory_space<hbm>> -> memref<100000x64xf32, #tpu.memory_space<hbm>>
        tpu.enqueue_indirect_dma source(%dma_start3A_1008 : memref<100000x64xf32, #tpu.memory_space<hbm>>) target(%dma_start3A_1002 : memref<200x64xf32, #tpu.memory_space<vmem>>) offsets(%dma_start3A_1005 : memref<200xi32, #tpu.memory_space<vmem>>) semaphore(%arg8 : memref<!tpu.dma_semaphore, #tpu.memory_space<semaphore_mem>>)
      } else {
      }
      %add3A_783 = arith.constant 2 : i32
      %add3A_784 = arith.addi %mul3A_124, %add3A_783 : i32
      %mul3A_785 = arith.constant 8 : i32
      %mul3A_786 = arith.muli %add3A_784, %mul3A_785 : i32
      %add3A_787 = arith.addi %mul3A_2, %mul3A_786 : i32
      %mul3A_788 = arith.constant 50 : i32
      %mul3A_789 = arith.muli %add3A_787, %mul3A_788 : i32
      %mul3A_790 = arith.constant 64 : i32
      %mul3A_791 = arith.muli %mul3A_789, %mul3A_790 : i32
      %jit3A_792 = arith.constant 128 : i32
      %div3A_793 = arith.divsi %mul3A_791, %jit3A_792 : i32
      %sign3A_794 = arith.constant 0 : i32
      %sign3A_795 = arith.cmpi sgt, %mul3A_791, %sign3A_794 : i32
      %sign3A_796 = arith.extui %sign3A_795 : i1 to i32
      %sign3A_797 = arith.constant 0 : i32
      %sign3A_798 = arith.cmpi slt, %mul3A_791, %sign3A_797 : i32
      %sign3A_799 = arith.extui %sign3A_798 : i1 to i32
      %sign3A_800 = arith.subi %sign3A_796, %sign3A_799 : i32
      %sign3A_801 = arith.constant 0 : i32
      %sign3A_802 = arith.cmpi sgt, %jit3A_792, %sign3A_801 : i32
      %sign3A_803 = arith.extui %sign3A_802 : i1 to i32
      %sign3A_804 = arith.constant 0 : i32
      %sign3A_805 = arith.cmpi slt, %jit3A_792, %sign3A_804 : i32
      %sign3A_806 = arith.extui %sign3A_805 : i1 to i32
      %sign3A_807 = arith.subi %sign3A_803, %sign3A_806 : i32
      %ne3A_808 = arith.cmpi ne, %sign3A_800, %sign3A_807 : i32
      %rem3A_809 = arith.remsi %mul3A_791, %jit3A_792 : i32
      %ne3A_810 = arith.constant 0 : i32
      %ne3A_811 = arith.cmpi ne, %rem3A_809, %ne3A_810 : i32
      %and3A_812 = arith.andi %ne3A_808, %ne3A_811 : i1
      %sub3A_813 = arith.constant 1 : i32
      %sub3A_814 = arith.subi %div3A_793, %sub3A_813 : i32
      %select_n3A_815 = arith.select %and3A_812, %sub3A_814, %div3A_793 : i32
      %dma_wait3A_816 = arith.constant 2 : i32
      %dma_wait3A_817 = arith.constant 0 : i32
      %dma_wait3A_818 = arith.constant 0 : i32
      %dma_wait3A_819 = arith.constant 0 : i32
      %dma_wait3A_820 = tpu.memref_slice %arg6[%dma_wait3A_816, %dma_wait3A_817, %dma_wait3A_818, %dma_wait3A_819] : memref<4x2x200x64xf32, #tpu.memory_space<vmem>> -> memref<1x1x200x64xf32, #tpu.memory_space<vmem>>
      %dma_wait3A_821 = tpu.memref_squeeze %dma_wait3A_820 : memref<1x1x200x64xf32, #tpu.memory_space<vmem>> -> memref<200x64xf32, #tpu.memory_space<vmem>>
      %dma_wait3A_822 = arith.constant 0 : i32
      %dma_wait3A_823 = tpu.memref_slice %arg4[%select_n3A_815, %dma_wait3A_822] : memref<102400x128xf32, #tpu.memory_space<hbm>> -> memref<200x64xf32, #tpu.memory_space<hbm>>
      %dma_wait3A_824 = arith.constant 0 : i32
      %dma_wait3A_825 = tpu.memref_slice %arg4[%select_n3A_815, %dma_wait3A_824] : memref<102400x128xf32, #tpu.memory_space<hbm>> -> memref<200x64xf32, #tpu.memory_space<hbm>>
      %dma_wait3A_826 = arith.constant 0 : i32
      %dma_wait3A_827 = arith.constant 0 : i32
      %dma_wait3A_828 = tpu.memref_slice %arg6[%dma_wait3A_816, %dma_wait3A_817, %dma_wait3A_826, %dma_wait3A_827] : memref<4x2x200x64xf32, #tpu.memory_space<vmem>> -> memref<1x1x200x64xf32, #tpu.memory_space<vmem>>
      %dma_wait3A_829 = tpu.memref_squeeze %dma_wait3A_828 : memref<1x1x200x64xf32, #tpu.memory_space<vmem>> -> memref<200x64xf32, #tpu.memory_space<vmem>>
      tpu.wait_dma2 semaphore(%arg13 : memref<!tpu.dma_semaphore, #tpu.memory_space<semaphore_mem>>) src(%dma_wait3A_829 : memref<200x64xf32, #tpu.memory_space<vmem>>) dst(%dma_wait3A_825 : memref<200x64xf32, #tpu.memory_space<hbm>>)
      %mul3A_830 = arith.constant 8 : i32
      %mul3A_831 = arith.muli %add3A_784, %mul3A_830 : i32
      %add3A_832 = arith.addi %mul3A_2, %mul3A_831 : i32
      %mul3A_833 = arith.constant 50 : i32
      %mul3A_834 = arith.muli %add3A_832, %mul3A_833 : i32
      %mul3A_835 = arith.constant 64 : i32
      %mul3A_836 = arith.muli %mul3A_834, %mul3A_835 : i32
      %jit3A_837 = arith.constant 128 : i32
      %div3A_838 = arith.divsi %mul3A_836, %jit3A_837 : i32
      %sign3A_839 = arith.constant 0 : i32
      %sign3A_840 = arith.cmpi sgt, %mul3A_836, %sign3A_839 : i32
      %sign3A_841 = arith.extui %sign3A_840 : i1 to i32
      %sign3A_842 = arith.constant 0 : i32
      %sign3A_843 = arith.cmpi slt, %mul3A_836, %sign3A_842 : i32
      %sign3A_844 = arith.extui %sign3A_843 : i1 to i32
      %sign3A_845 = arith.subi %sign3A_841, %sign3A_844 : i32
      %sign3A_846 = arith.constant 0 : i32
      %sign3A_847 = arith.cmpi sgt, %jit3A_837, %sign3A_846 : i32
      %sign3A_848 = arith.extui %sign3A_847 : i1 to i32
      %sign3A_849 = arith.constant 0 : i32
      %sign3A_850 = arith.cmpi slt, %jit3A_837, %sign3A_849 : i32
      %sign3A_851 = arith.extui %sign3A_850 : i1 to i32
      %sign3A_852 = arith.subi %sign3A_848, %sign3A_851 : i32
      %ne3A_853 = arith.cmpi ne, %sign3A_845, %sign3A_852 : i32
      %rem3A_854 = arith.remsi %mul3A_836, %jit3A_837 : i32
      %ne3A_855 = arith.constant 0 : i32
      %ne3A_856 = arith.cmpi ne, %rem3A_854, %ne3A_855 : i32
      %and3A_857 = arith.andi %ne3A_853, %ne3A_856 : i1
      %sub3A_858 = arith.constant 1 : i32
      %sub3A_859 = arith.subi %div3A_838, %sub3A_858 : i32
      %select_n3A_860 = arith.select %and3A_857, %sub3A_859, %div3A_838 : i32
      %dma_wait3A_861 = arith.constant 2 : i32
      %dma_wait3A_862 = arith.constant 1 : i32
      %dma_wait3A_863 = arith.constant 0 : i32
      %dma_wait3A_864 = arith.constant 0 : i32
      %dma_wait3A_865 = tpu.memref_slice %arg6[%dma_wait3A_861, %dma_wait3A_862, %dma_wait3A_863, %dma_wait3A_864] : memref<4x2x200x64xf32, #tpu.memory_space<vmem>> -> memref<1x1x200x64xf32, #tpu.memory_space<vmem>>
      %dma_wait3A_866 = tpu.memref_squeeze %dma_wait3A_865 : memref<1x1x200x64xf32, #tpu.memory_space<vmem>> -> memref<200x64xf32, #tpu.memory_space<vmem>>
      %dma_wait3A_867 = arith.constant 64 : i32
      %dma_wait3A_868 = tpu.memref_slice %arg4[%select_n3A_860, %dma_wait3A_867] : memref<102400x128xf32, #tpu.memory_space<hbm>> -> memref<200x64xf32, #tpu.memory_space<hbm>>
      %dma_wait3A_869 = arith.constant 64 : i32
      %dma_wait3A_870 = tpu.memref_slice %arg4[%select_n3A_860, %dma_wait3A_869] : memref<102400x128xf32, #tpu.memory_space<hbm>> -> memref<200x64xf32, #tpu.memory_space<hbm>>
      %dma_wait3A_871 = arith.constant 0 : i32
      %dma_wait3A_872 = arith.constant 0 : i32
      %dma_wait3A_873 = tpu.memref_slice %arg6[%dma_wait3A_861, %dma_wait3A_862, %dma_wait3A_871, %dma_wait3A_872] : memref<4x2x200x64xf32, #tpu.memory_space<vmem>> -> memref<1x1x200x64xf32, #tpu.memory_space<vmem>>
      %dma_wait3A_874 = tpu.memref_squeeze %dma_wait3A_873 : memref<1x1x200x64xf32, #tpu.memory_space<vmem>> -> memref<200x64xf32, #tpu.memory_space<vmem>>
      tpu.wait_dma2 semaphore(%arg13 : memref<!tpu.dma_semaphore, #tpu.memory_space<semaphore_mem>>) src(%dma_wait3A_874 : memref<200x64xf32, #tpu.memory_space<vmem>>) dst(%dma_wait3A_870 : memref<200x64xf32, #tpu.memory_space<hbm>>)
      %add3A_875 = arith.constant 4 : i32
      %add3A_876 = arith.addi %add3A_784, %add3A_875 : i32
      %lt3A_877 = arith.constant 16 : i32
      %lt3A_878 = arith.cmpi slt, %add3A_876, %lt3A_877 : i32
      %convert_element_type3A_879 = arith.extui %lt3A_878 : i1 to i32
      %cond3A_880 = arith.constant 0 : i32
      %cond3A_881 = arith.cmpi ne, %convert_element_type3A_879, %cond3A_880 : i32
      scf.if %cond3A_881 {
        %add3A_981 = arith.constant 4 : i32
        %add3A_982 = arith.addi %add3A_784, %add3A_981 : i32
        %dma_start3A_983 = arith.constant 0 : i32
        %dma_start3A_984 = arith.constant 2 : i32
        %dma_start3A_985 = arith.constant 0 : i32
        %dma_start3A_986 = arith.constant 0 : i32
        %dma_start3A_987 = arith.constant 0 : i32
        %dma_start3A_988 = tpu.memref_slice %arg6[%dma_start3A_984, %dma_start3A_985, %dma_start3A_986, %dma_start3A_987] : memref<4x2x200x64xf32, #tpu.memory_space<vmem>> -> memref<1x1x200x64xf32, #tpu.memory_space<vmem>>
        %dma_start3A_989 = tpu.memref_squeeze %dma_start3A_988 : memref<1x1x200x64xf32, #tpu.memory_space<vmem>> -> memref<200x64xf32, #tpu.memory_space<vmem>>
        %dma_start3A_990 = arith.constant 0 : i32
        %dma_start3A_991 = tpu.memref_slice %arg5[%dma_start3A_983, %add3A_982, %dma_start3A_990] : memref<2x16x200xi32, #tpu.memory_space<vmem>> -> memref<1x1x200xi32, #tpu.memory_space<vmem>>
        %dma_start3A_992 = tpu.memref_squeeze %dma_start3A_991 : memref<1x1x200xi32, #tpu.memory_space<vmem>> -> memref<200xi32, #tpu.memory_space<vmem>>
        %dma_start3A_993 = arith.constant 0 : i32
        %dma_start3A_994 = arith.constant 0 : i32
        %dma_start3A_995 = tpu.memref_slice %arg3[%dma_start3A_993, %dma_start3A_994] : memref<100000x64xf32, #tpu.memory_space<hbm>> -> memref<100000x64xf32, #tpu.memory_space<hbm>>
        tpu.enqueue_indirect_dma source(%dma_start3A_995 : memref<100000x64xf32, #tpu.memory_space<hbm>>) target(%dma_start3A_989 : memref<200x64xf32, #tpu.memory_space<vmem>>) offsets(%dma_start3A_992 : memref<200xi32, #tpu.memory_space<vmem>>) semaphore(%arg9 : memref<!tpu.dma_semaphore, #tpu.memory_space<semaphore_mem>>)
        %dma_start3A_996 = arith.constant 1 : i32
        %dma_start3A_997 = arith.constant 2 : i32
        %dma_start3A_998 = arith.constant 1 : i32
        %dma_start3A_999 = arith.constant 0 : i32
        %dma_start3A_1000 = arith.constant 0 : i32
        %dma_start3A_1001 = tpu.memref_slice %arg6[%dma_start3A_997, %dma_start3A_998, %dma_start3A_999, %dma_start3A_1000] : memref<4x2x200x64xf32, #tpu.memory_space<vmem>> -> memref<1x1x200x64xf32, #tpu.memory_space<vmem>>
        %dma_start3A_1002 = tpu.memref_squeeze %dma_start3A_1001 : memref<1x1x200x64xf32, #tpu.memory_space<vmem>> -> memref<200x64xf32, #tpu.memory_space<vmem>>
        %dma_start3A_1003 = arith.constant 0 : i32
        %dma_start3A_1004 = tpu.memref_slice %arg5[%dma_start3A_996, %add3A_982, %dma_start3A_1003] : memref<2x16x200xi32, #tpu.memory_space<vmem>> -> memref<1x1x200xi32, #tpu.memory_space<vmem>>
        %dma_start3A_1005 = tpu.memref_squeeze %dma_start3A_1004 : memref<1x1x200xi32, #tpu.memory_space<vmem>> -> memref<200xi32, #tpu.memory_space<vmem>>
        %dma_start3A_1006 = arith.constant 0 : i32
        %dma_start3A_1007 = arith.constant 0 : i32
        %dma_start3A_1008 = tpu.memref_slice %arg3[%dma_start3A_1006, %dma_start3A_1007] : memref<100000x64xf32, #tpu.memory_space<hbm>> -> memref<100000x64xf32, #tpu.memory_space<hbm>>
        tpu.enqueue_indirect_dma source(%dma_start3A_1008 : memref<100000x64xf32, #tpu.memory_space<hbm>>) target(%dma_start3A_1002 : memref<200x64xf32, #tpu.memory_space<vmem>>) offsets(%dma_start3A_1005 : memref<200xi32, #tpu.memory_space<vmem>>) semaphore(%arg9 : memref<!tpu.dma_semaphore, #tpu.memory_space<semaphore_mem>>)
      } else {
      }
      %add3A_882 = arith.constant 3 : i32
      %add3A_883 = arith.addi %mul3A_124, %add3A_882 : i32
      %mul3A_884 = arith.constant 8 : i32
      %mul3A_885 = arith.muli %add3A_883, %mul3A_884 : i32
      %add3A_886 = arith.addi %mul3A_2, %mul3A_885 : i32
      %mul3A_887 = arith.constant 50 : i32
      %mul3A_888 = arith.muli %add3A_886, %mul3A_887 : i32
      %mul3A_889 = arith.constant 64 : i32
      %mul3A_890 = arith.muli %mul3A_888, %mul3A_889 : i32
      %jit3A_891 = arith.constant 128 : i32
      %div3A_892 = arith.divsi %mul3A_890, %jit3A_891 : i32
      %sign3A_893 = arith.constant 0 : i32
      %sign3A_894 = arith.cmpi sgt, %mul3A_890, %sign3A_893 : i32
      %sign3A_895 = arith.extui %sign3A_894 : i1 to i32
      %sign3A_896 = arith.constant 0 : i32
      %sign3A_897 = arith.cmpi slt, %mul3A_890, %sign3A_896 : i32
      %sign3A_898 = arith.extui %sign3A_897 : i1 to i32
      %sign3A_899 = arith.subi %sign3A_895, %sign3A_898 : i32
      %sign3A_900 = arith.constant 0 : i32
      %sign3A_901 = arith.cmpi sgt, %jit3A_891, %sign3A_900 : i32
      %sign3A_902 = arith.extui %sign3A_901 : i1 to i32
      %sign3A_903 = arith.constant 0 : i32
      %sign3A_904 = arith.cmpi slt, %jit3A_891, %sign3A_903 : i32
      %sign3A_905 = arith.extui %sign3A_904 : i1 to i32
      %sign3A_906 = arith.subi %sign3A_902, %sign3A_905 : i32
      %ne3A_907 = arith.cmpi ne, %sign3A_899, %sign3A_906 : i32
      %rem3A_908 = arith.remsi %mul3A_890, %jit3A_891 : i32
      %ne3A_909 = arith.constant 0 : i32
      %ne3A_910 = arith.cmpi ne, %rem3A_908, %ne3A_909 : i32
      %and3A_911 = arith.andi %ne3A_907, %ne3A_910 : i1
      %sub3A_912 = arith.constant 1 : i32
      %sub3A_913 = arith.subi %div3A_892, %sub3A_912 : i32
      %select_n3A_914 = arith.select %and3A_911, %sub3A_913, %div3A_892 : i32
      %dma_wait3A_915 = arith.constant 3 : i32
      %dma_wait3A_916 = arith.constant 0 : i32
      %dma_wait3A_917 = arith.constant 0 : i32
      %dma_wait3A_918 = arith.constant 0 : i32
      %dma_wait3A_919 = tpu.memref_slice %arg6[%dma_wait3A_915, %dma_wait3A_916, %dma_wait3A_917, %dma_wait3A_918] : memref<4x2x200x64xf32, #tpu.memory_space<vmem>> -> memref<1x1x200x64xf32, #tpu.memory_space<vmem>>
      %dma_wait3A_920 = tpu.memref_squeeze %dma_wait3A_919 : memref<1x1x200x64xf32, #tpu.memory_space<vmem>> -> memref<200x64xf32, #tpu.memory_space<vmem>>
      %dma_wait3A_921 = arith.constant 0 : i32
      %dma_wait3A_922 = tpu.memref_slice %arg4[%select_n3A_914, %dma_wait3A_921] : memref<102400x128xf32, #tpu.memory_space<hbm>> -> memref<200x64xf32, #tpu.memory_space<hbm>>
      %dma_wait3A_923 = arith.constant 0 : i32
      %dma_wait3A_924 = tpu.memref_slice %arg4[%select_n3A_914, %dma_wait3A_923] : memref<102400x128xf32, #tpu.memory_space<hbm>> -> memref<200x64xf32, #tpu.memory_space<hbm>>
      %dma_wait3A_925 = arith.constant 0 : i32
      %dma_wait3A_926 = arith.constant 0 : i32
      %dma_wait3A_927 = tpu.memref_slice %arg6[%dma_wait3A_915, %dma_wait3A_916, %dma_wait3A_925, %dma_wait3A_926] : memref<4x2x200x64xf32, #tpu.memory_space<vmem>> -> memref<1x1x200x64xf32, #tpu.memory_space<vmem>>
      %dma_wait3A_928 = tpu.memref_squeeze %dma_wait3A_927 : memref<1x1x200x64xf32, #tpu.memory_space<vmem>> -> memref<200x64xf32, #tpu.memory_space<vmem>>
      tpu.wait_dma2 semaphore(%arg14 : memref<!tpu.dma_semaphore, #tpu.memory_space<semaphore_mem>>) src(%dma_wait3A_928 : memref<200x64xf32, #tpu.memory_space<vmem>>) dst(%dma_wait3A_924 : memref<200x64xf32, #tpu.memory_space<hbm>>)
      %mul3A_929 = arith.constant 8 : i32
      %mul3A_930 = arith.muli %add3A_883, %mul3A_929 : i32
      %add3A_931 = arith.addi %mul3A_2, %mul3A_930 : i32
      %mul3A_932 = arith.constant 50 : i32
      %mul3A_933 = arith.muli %add3A_931, %mul3A_932 : i32
      %mul3A_934 = arith.constant 64 : i32
      %mul3A_935 = arith.muli %mul3A_933, %mul3A_934 : i32
      %jit3A_936 = arith.constant 128 : i32
      %div3A_937 = arith.divsi %mul3A_935, %jit3A_936 : i32
      %sign3A_938 = arith.constant 0 : i32
      %sign3A_939 = arith.cmpi sgt, %mul3A_935, %sign3A_938 : i32
      %sign3A_940 = arith.extui %sign3A_939 : i1 to i32
      %sign3A_941 = arith.constant 0 : i32
      %sign3A_942 = arith.cmpi slt, %mul3A_935, %sign3A_941 : i32
      %sign3A_943 = arith.extui %sign3A_942 : i1 to i32
      %sign3A_944 = arith.subi %sign3A_940, %sign3A_943 : i32
      %sign3A_945 = arith.constant 0 : i32
      %sign3A_946 = arith.cmpi sgt, %jit3A_936, %sign3A_945 : i32
      %sign3A_947 = arith.extui %sign3A_946 : i1 to i32
      %sign3A_948 = arith.constant 0 : i32
      %sign3A_949 = arith.cmpi slt, %jit3A_936, %sign3A_948 : i32
      %sign3A_950 = arith.extui %sign3A_949 : i1 to i32
      %sign3A_951 = arith.subi %sign3A_947, %sign3A_950 : i32
      %ne3A_952 = arith.cmpi ne, %sign3A_944, %sign3A_951 : i32
      %rem3A_953 = arith.remsi %mul3A_935, %jit3A_936 : i32
      %ne3A_954 = arith.constant 0 : i32
      %ne3A_955 = arith.cmpi ne, %rem3A_953, %ne3A_954 : i32
      %and3A_956 = arith.andi %ne3A_952, %ne3A_955 : i1
      %sub3A_957 = arith.constant 1 : i32
      %sub3A_958 = arith.subi %div3A_937, %sub3A_957 : i32
      %select_n3A_959 = arith.select %and3A_956, %sub3A_958, %div3A_937 : i32
      %dma_wait3A_960 = arith.constant 3 : i32
      %dma_wait3A_961 = arith.constant 1 : i32
      %dma_wait3A_962 = arith.constant 0 : i32
      %dma_wait3A_963 = arith.constant 0 : i32
      %dma_wait3A_964 = tpu.memref_slice %arg6[%dma_wait3A_960, %dma_wait3A_961, %dma_wait3A_962, %dma_wait3A_963] : memref<4x2x200x64xf32, #tpu.memory_space<vmem>> -> memref<1x1x200x64xf32, #tpu.memory_space<vmem>>
      %dma_wait3A_965 = tpu.memref_squeeze %dma_wait3A_964 : memref<1x1x200x64xf32, #tpu.memory_space<vmem>> -> memref<200x64xf32, #tpu.memory_space<vmem>>
      %dma_wait3A_966 = arith.constant 64 : i32
      %dma_wait3A_967 = tpu.memref_slice %arg4[%select_n3A_959, %dma_wait3A_966] : memref<102400x128xf32, #tpu.memory_space<hbm>> -> memref<200x64xf32, #tpu.memory_space<hbm>>
      %dma_wait3A_968 = arith.constant 64 : i32
      %dma_wait3A_969 = tpu.memref_slice %arg4[%select_n3A_959, %dma_wait3A_968] : memref<102400x128xf32, #tpu.memory_space<hbm>> -> memref<200x64xf32, #tpu.memory_space<hbm>>
      %dma_wait3A_970 = arith.constant 0 : i32
      %dma_wait3A_971 = arith.constant 0 : i32
      %dma_wait3A_972 = tpu.memref_slice %arg6[%dma_wait3A_960, %dma_wait3A_961, %dma_wait3A_970, %dma_wait3A_971] : memref<4x2x200x64xf32, #tpu.memory_space<vmem>> -> memref<1x1x200x64xf32, #tpu.memory_space<vmem>>
      %dma_wait3A_973 = tpu.memref_squeeze %dma_wait3A_972 : memref<1x1x200x64xf32, #tpu.memory_space<vmem>> -> memref<200x64xf32, #tpu.memory_space<vmem>>
      tpu.wait_dma2 semaphore(%arg14 : memref<!tpu.dma_semaphore, #tpu.memory_space<semaphore_mem>>) src(%dma_wait3A_973 : memref<200x64xf32, #tpu.memory_space<vmem>>) dst(%dma_wait3A_969 : memref<200x64xf32, #tpu.memory_space<hbm>>)
      %add3A_974 = arith.constant 4 : i32
      %add3A_975 = arith.addi %add3A_883, %add3A_974 : i32
      %lt3A_976 = arith.constant 16 : i32
      %lt3A_977 = arith.cmpi slt, %add3A_975, %lt3A_976 : i32
      %convert_element_type3A_978 = arith.extui %lt3A_977 : i1 to i32
      %cond3A_979 = arith.constant 0 : i32
      %cond3A_980 = arith.cmpi ne, %convert_element_type3A_978, %cond3A_979 : i32
      scf.if %cond3A_980 {
        %add3A_981 = arith.constant 4 : i32
        %add3A_982 = arith.addi %add3A_883, %add3A_981 : i32
        %dma_start3A_983 = arith.constant 0 : i32
        %dma_start3A_984 = arith.constant 3 : i32
        %dma_start3A_985 = arith.constant 0 : i32
        %dma_start3A_986 = arith.constant 0 : i32
        %dma_start3A_987 = arith.constant 0 : i32
        %dma_start3A_988 = tpu.memref_slice %arg6[%dma_start3A_984, %dma_start3A_985, %dma_start3A_986, %dma_start3A_987] : memref<4x2x200x64xf32, #tpu.memory_space<vmem>> -> memref<1x1x200x64xf32, #tpu.memory_space<vmem>>
        %dma_start3A_989 = tpu.memref_squeeze %dma_start3A_988 : memref<1x1x200x64xf32, #tpu.memory_space<vmem>> -> memref<200x64xf32, #tpu.memory_space<vmem>>
        %dma_start3A_990 = arith.constant 0 : i32
        %dma_start3A_991 = tpu.memref_slice %arg5[%dma_start3A_983, %add3A_982, %dma_start3A_990] : memref<2x16x200xi32, #tpu.memory_space<vmem>> -> memref<1x1x200xi32, #tpu.memory_space<vmem>>
        %dma_start3A_992 = tpu.memref_squeeze %dma_start3A_991 : memref<1x1x200xi32, #tpu.memory_space<vmem>> -> memref<200xi32, #tpu.memory_space<vmem>>
        %dma_start3A_993 = arith.constant 0 : i32
        %dma_start3A_994 = arith.constant 0 : i32
        %dma_start3A_995 = tpu.memref_slice %arg3[%dma_start3A_993, %dma_start3A_994] : memref<100000x64xf32, #tpu.memory_space<hbm>> -> memref<100000x64xf32, #tpu.memory_space<hbm>>
        tpu.enqueue_indirect_dma source(%dma_start3A_995 : memref<100000x64xf32, #tpu.memory_space<hbm>>) target(%dma_start3A_989 : memref<200x64xf32, #tpu.memory_space<vmem>>) offsets(%dma_start3A_992 : memref<200xi32, #tpu.memory_space<vmem>>) semaphore(%arg10 : memref<!tpu.dma_semaphore, #tpu.memory_space<semaphore_mem>>)
        %dma_start3A_996 = arith.constant 1 : i32
        %dma_start3A_997 = arith.constant 3 : i32
        %dma_start3A_998 = arith.constant 1 : i32
        %dma_start3A_999 = arith.constant 0 : i32
        %dma_start3A_1000 = arith.constant 0 : i32
        %dma_start3A_1001 = tpu.memref_slice %arg6[%dma_start3A_997, %dma_start3A_998, %dma_start3A_999, %dma_start3A_1000] : memref<4x2x200x64xf32, #tpu.memory_space<vmem>> -> memref<1x1x200x64xf32, #tpu.memory_space<vmem>>
        %dma_start3A_1002 = tpu.memref_squeeze %dma_start3A_1001 : memref<1x1x200x64xf32, #tpu.memory_space<vmem>> -> memref<200x64xf32, #tpu.memory_space<vmem>>
        %dma_start3A_1003 = arith.constant 0 : i32
        %dma_start3A_1004 = tpu.memref_slice %arg5[%dma_start3A_996, %add3A_982, %dma_start3A_1003] : memref<2x16x200xi32, #tpu.memory_space<vmem>> -> memref<1x1x200xi32, #tpu.memory_space<vmem>>
        %dma_start3A_1005 = tpu.memref_squeeze %dma_start3A_1004 : memref<1x1x200xi32, #tpu.memory_space<vmem>> -> memref<200xi32, #tpu.memory_space<vmem>>
        %dma_start3A_1006 = arith.constant 0 : i32
        %dma_start3A_1007 = arith.constant 0 : i32
        %dma_start3A_1008 = tpu.memref_slice %arg3[%dma_start3A_1006, %dma_start3A_1007] : memref<100000x64xf32, #tpu.memory_space<hbm>> -> memref<100000x64xf32, #tpu.memory_space<hbm>>
        tpu.enqueue_indirect_dma source(%dma_start3A_1008 : memref<100000x64xf32, #tpu.memory_space<hbm>>) target(%dma_start3A_1002 : memref<200x64xf32, #tpu.memory_space<vmem>>) offsets(%dma_start3A_1005 : memref<200xi32, #tpu.memory_space<vmem>>) semaphore(%arg10 : memref<!tpu.dma_semaphore, #tpu.memory_space<semaphore_mem>>)
      } else {
      }
    }
    %scan3A_121 = arith.constant 4 : i32
    return
  }
}

</mosaic_0001>

<sc_bundles>
// kernel: kernel.3.cloned.1.call-start
scs
__scs_entry_jumppad:
0x0: {  	(pc) =	sbr.rel $0x88, $3  }
0x1: {  	(tag) =	ssettag $0x0;
	lr =	simm.s32 $0x1  }
0x2: {  	[smem:$0x3F9F] =	sst lr;
	_ =	strace $0xD0000000  }
0x3: {  	_ = 	snop  }
0x4: {  	_ = 	snop  }
0x5: {  	_ = 	snop  }
0x6: {  	_ = 	snop  }
0x7: {  	_ = 	snop  }
__scs_overlays_trampoline_lowered:
0x8: {  	[smem:$0x3FAE] =	sst s0  }
0x9: {  	[smem:$0x3FAF] =	sst s1  }
0xa: {  	[smem:$0x3FB0] =	sst s2  }
0xb: {  	[smem:$0x3FB1] =	sst s3  }
0xc: {  	[smem:$0x3FB2] =	sst s4  }
0xd: {  	[smem:$0x3FB3] =	sst s5  }
0xe: {  	[smem:$0x3FB4] =	sst s6  }
0xf: {  	[smem:$0x3FB5] =	sst s7  }
0x10: {  	[smem:$0x3FB6] =	sst s8  }
0x11: {  	[smem:$0x3FB7] =	sst s9;
	s0 =	simm.s32 @!p0 $0x0  }
0x12: {  	s1 =	sld [smem:$0x3F9D];
	s0 =	simm.s32 @p0 $0x1  }
0x13: {  	[smem:$0x3FB8] =	sst s0;
	s0 =	simm.s32 @!p1 $0x0  }
0x14: {  	s2 =	sld [smem:$0x3F9C];
	s0 =	simm.s32 @p1 $0x1  }
0x15: {  	[smem:$0x3FB9] =	sst s0;
	s0 =	simm.s32 @!p2 $0x0  }
0x16: {  	s3 =	sld [smem:$0x3FDB];
	s0 =	simm.s32 @p2 $0x1  }
0x17: {  	s4 =	simm.s32 $0x1BF5;
	[smem:$0x3FBB] =	sst s0  }
0x18: {  	s0 =	sld [smem:$0x3F9E];
	_ =	swait.ge [sflag:s4], $0x0  }
0x19: {  	s7 =	sld [smem:$0x3F9F]  }
0x1a: {  	s8 =	sadd.s32 $0xFFFFE003, lr  }
0x1b: {  	s9 =	sadd.s32 $0xFFFFFEF7, lr;
	s5 =	simm.s32 $0xFFFFFFFF;
	p2 =	slt.u32 s8, $0xFFFFF086  }
0x1c: {  	p1 =	slt.u32 s9, $0xF7A;
	s5 =	simm.s32 @!p2 $0x0  }
0x1d: {  	s5 =	simm.s32 @p1 $0x1;
	p0 =	seq.s32 s7, s2  }
0x1e: {  	s7 =	smul.u32 @!p0 $0xF7A, s2;
	p2 =	seq.s32 @!p0 s5, $0x0  }
0x1f: {  	s9 =	smul.u32 $0xF7A, s1;
	s8 =	simm.s32 @!p0 $0x1BF5;
	p2 =	por !p2, p0  }
0x20: {  	[sflag:s8] =	ssyncset.s32 @!p0 $0xFFFFF086;
	s6 =	sadd.s32 @!p0 s3, s7;
	s7 =	simm.s32 @!p0 $0x108  }
0x21: {  	s3 =	sadd.s32 s3, s9;
	s6 =	sadd.s32 @!p0 $0x88, s6;
	s7 =	simm.s32 @p2 $0x1082  }
0x22: {  	[simem:s7], [sflag:s8] =	dma.local @!p0 [hbm:s6], $0xF7A  }
0x23: {  	s9 =	sor.u32 $0xD0000000, s2;
	s6 =	simm.s32 $0x108;
	_ =	swait.ge @!p0 [sflag:s8], $0x0  }
0x24: {  	s3 =	sadd.s32 $0x88, s3;
	s6 =	simm.s32 @!p1 $0x1082;
	[sflag:s4] =	ssyncset.s32 $0xFFFFF086  }
0x25: {  	[simem:s6], [sflag:s4] =	dma.local [hbm:s3], $0xF7A  }
0x26: {  	[smem:$0x3F9F] =	sst s1;
	(tag) =	ssettag s2;
	_ =	strace s9  }
0x27: {  	s1 =	sld [smem:$0x3FAF]  }
0x28: {  	s2 =	sld [smem:$0x3FB0]  }
0x29: {  	s4 =	sld [smem:$0x3FB2]  }
0x2a: {  	p0 =	seq.s32 s5, $0x0;
	s5 =	sld [smem:$0x3FB3]  }
0x2b: {  	s6 =	sld [smem:$0x3FB4]  }
0x2c: {  	s7 =	sld [smem:$0x3FB5]  }
0x2d: {  	s3 =	simm.s32 $0x108;
	s8 =	sld [smem:$0x3FB6]  }
0x2e: {  	s3 =	simm.s32 @!p0 $0x1082;
	s9 =	sld [smem:$0x3FB7]  }
0x2f: {  	lr =	sadd.s32 s0, s3;
	s0 =	sld [smem:$0x3FAE]  }
0x30: {  	s3 =	sld [smem:$0x3FB1]  }
0x31: {  	[smem:$0x3FBA] =	sst s10  }
0x32: {  	s10 =	sld [smem:$0x3FB8];
	_ =	sdelay $0x3  }
0x33: {  	p0 =	seq.s32 s10, $0x1;
	s10 =	sld [smem:$0x3FBA];
	_ =	sdelay $0x3  }
0x34: {  	[smem:$0x3FBA] =	sst s10  }
0x35: {  	s10 =	sld [smem:$0x3FB9];
	_ =	sdelay $0x3  }
0x36: {  	p1 =	seq.s32 s10, $0x1;
	s10 =	sld [smem:$0x3FBA];
	_ =	sdelay $0x3  }
0x37: {  	[smem:$0x3FBA] =	sst s10  }
0x38: {  	s10 =	sld [smem:$0x3FBB]  }
0x39: {  	_ = 	snop;
	(pc) =	sbr.ind lr, $3  }
0x3a: {  	_ = 	snop  }
0x3b: {  	_ = 	snop  }
0x3c: {  	p2 =	seq.s32 s10, $0x1;
	s10 =	sld [smem:$0x3FBA]  }
0x3d: {  	_ =	shalt  }
0x3e: {  	_ =	shalt  }
0x3f: {  	_ =	shalt  }
0x40: {  	_ =	shalt  }
0x41: {  	_ =	shalt  }
0x42: {  	_ =	shalt  }
0x43: {  	_ =	shalt  }
0x44: {  	_ =	shalt  }
0x45: {  	_ =	shalt  }
0x46: {  	_ =	shalt  }
0x47: {  	_ =	shalt  }
0x48: {  	_ =	shalt  }
0x49: {  	_ =	shalt  }
0x4a: {  	_ =	shalt  }
0x4b: {  	_ =	shalt  }
0x4c: {  	_ =	shalt  }
0x4d: {  	_ =	shalt  }
0x4e: {  	_ =	shalt  }
0x4f: {  	_ =	shalt  }
0x50: {  	_ =	shalt  }
0x51: {  	_ =	shalt  }
0x52: {  	_ =	shalt  }
0x53: {  	_ =	shalt  }
0x54: {  	_ =	shalt  }
0x55: {  	_ =	shalt  }
0x56: {  	_ =	shalt  }
0x57: {  	_ =	shalt  }
0x58: {  	_ =	shalt  }
0x59: {  	_ =	shalt  }
0x5a: {  	_ =	shalt  }
0x5b: {  	_ =	shalt  }
0x5c: {  	_ =	shalt  }
0x5d: {  	_ =	shalt  }
0x5e: {  	_ =	shalt  }
0x5f: {  	_ =	shalt  }
0x60: {  	_ =	shalt  }
0x61: {  	_ =	shalt  }
0x62: {  	_ =	shalt  }
0x63: {  	_ =	shalt  }
0x64: {  	_ =	shalt  }
0x65: {  	_ =	shalt  }
0x66: {  	_ =	shalt  }
0x67: {  	_ =	shalt  }
0x68: {  	_ =	shalt  }
0x69: {  	_ =	shalt  }
0x6a: {  	_ =	shalt  }
0x6b: {  	_ =	shalt  }
0x6c: {  	_ =	shalt  }
0x6d: {  	_ =	shalt  }
0x6e: {  	_ =	shalt  }
0x6f: {  	_ =	shalt  }
0x70: {  	_ =	shalt  }
0x71: {  	_ =	shalt  }
0x72: {  	_ =	shalt  }
0x73: {  	_ =	shalt  }
0x74: {  	_ =	shalt  }
0x75: {  	_ =	shalt  }
0x76: {  	_ =	shalt  }
0x77: {  	_ =	shalt  }
0x78: {  	_ =	shalt  }
0x79: {  	_ =	shalt  }
0x7a: {  	_ =	shalt  }
0x7b: {  	_ =	shalt  }
0x7c: {  	_ =	shalt  }
0x7d: {  	_ =	shalt  }
0x7e: {  	_ =	shalt  }
0x7f: {  	_ =	shalt  }
0x80: {  	_ =	shalt  }
0x81: {  	_ =	shalt  }
0x82: {  	_ =	shalt  }
0x83: {  	_ =	shalt  }
0x84: {  	_ =	shalt  }
0x85: {  	_ =	shalt  }
0x86: {  	_ =	shalt  }
0x87: {  	_ =	shalt  }
.Lfunc_end0:
.L_simem_size_0:
called_computation.1_lowered:
.L_overlay_start_0:
0x88: {  	s2 =	sld [smem:$0x3FD9]  }
0x89: {  	s3 =	sld [smem:$0x3FFE];
	_ =	sdelay $0x1  }
0x8a: {  	s1 =	srdreg.scid  }
0x8b: {  	s0 =	sand.u32 $0x1, s1  }
0x8c: {  	s17 =	sshll.u32 s0, $0xA;
	s2 =	sadd.s32 s3, s2  }
0x8d: {  	s2 =	sadd.s32 s2, s17  }
0x8e: {  	[smem:$0x3FC6] =	sst s2  }
0x8f: {  	_ = 	snop  }
0x90: {  	s2 =	sld [smem:$0x3FD0];
	(tm) =	ssettm $0x1  }
0x91: {  	s18 =	sld [smem:$0x3FFB];
	_ =	sdelay $0x3  }
0x92: {  	_ =	strace s18  }
0x93: {  	s3 =	sld [smem:$0x3FFC];
	_ =	sdelay $0x3  }
0x94: {  	_ =	strace s3  }
0x95: {  	s3 =	sld [smem:$0x3FFD];
	_ =	sdelay $0x3  }
0x96: {  	_ =	strace s3  }
0x97: {  	_ =	strace $0x8FFFFFFF  }
0x98: {  	s19 =	sld [smem:$0x3FDB];
	_ =	sdelay $0x1  }
0x99: {  	s4 =	simm.s32 $_scs_section_size  }
0x9a: {  	s5 =	simm.s32 $_size__tile_overlayer_lowered;
	s6 =	simm.s32 $_tile_overlayer_lowered  }
0x9b: {  	s22 =	simm.s32 $0x1BFF;
	s21 =	sshll.u32 s6, $0x1;
	s3 =	sadd.s32 s4, s19  }
0x9c: {  	s7 =	simm.s32 $0x0;
	s20 =	sshll.u32 s5, $0x1;
	s5 =	sadd.s32 s21, s3  }
0x9d: {  	[timem:s7], [sflag:s22] =	dma.local [hbm:s5], s20  }
0x9e: {  	_ =	swait.ge [sflag:s22], s20  }
0x9f: {  	s4 =	ssub.s32 $0x0, s20;
	[sflag:s22] =	ssyncset.done $0x0  }
0xa0: {  	[sflag:s22] =	ssyncadd.s32 s4;
	_ =	sdelay $0x1  }
0xa1: {  	s23 =	simm.s32 $0x1B8B  }
0xa2: {  	_ =	swait.ge [sflag:s23], $0x1  }
0xa3: {  	[sflag:s23] =	ssyncset.done $0x0  }
0xa4: {  	s25 =	simm.s32 $0x1B8E;
	s24 =	sld [smem:$0x3FFE];
	[sflag:s23] =	ssyncadd.s32 $0xFFFFFFFF  }
0xa5: {  	s26 =	simm.s32 $execute0_lowered;
	[smem:$0x3FD2] =	sst s25  }
0xa6: {  	s5 =	sshll.u32 s26, $0x1;
	_ =	strace $0x80000046;
	[dreg:$0x1] =	wrdreg $0xFFFFFFFF  }
0xa7: {  	s28 =	simm.s32 $_size_execute0_lowered;
	s3 =	sadd.s32 s3, s5;
	[dreg:$0x0] =	wrdreg $0x0  }
0xa8: {  	s5 =	sshll.u32 s28, $0x1;
	[dreg:$0x2] =	wrdreg s3  }
0xa9: {  	[dreg:$0x3] =	wrdreg s5  }
0xaa: {  	[dreg:$0x4] =	wrdreg $0xC0  }
0xab: {  	_ =	task [dreg:s7], $0x5FFFF  }
0xac: {  	[dreg:$0x1] =	wrdreg $0xFFFFFFFF  }
0xad: {  	[dreg:$0x0] =	wrdreg $0x60  }
0xae: {  	[dreg:$0x2] =	wrdreg s24  }
0xaf: {  	[dreg:$0x3] =	wrdreg s2  }
0xb0: {  	[dreg:$0x4] =	wrdreg $0x9  }
0xb1: {  	_ =	task.clear_ibuf [dreg:s7], $0x5FFFF;
	_ =	strace $0x90000046  }
0xb2: {  	s29 =	simm.s32 $0x9;
	_ =	strace $0x80000048  }
0xb3: {  	_ =	swait.ge [sflag:s29], $0x1  }
0xb4: {  	[sflag:s29] =	ssyncadd.s32 $0xFFFFFFFF  }
0xb5: {  	_ =	strace $0x90000048  }
0xb6: {  	_ =	sfence  }
0xb7: {  	s30 =	sld [smem:$0x0];
	_ =	sdelay $0x2  }
0xb8: {  	s31 =	sshll.u32 s1, $0xD;
	s1 =	sshrl.u32 s1, $0x2  }
0xb9: {  	s3 =	sand.u32 $0x4000, s31;
	s1 =	sadd.s32 s1, s30  }
0xba: {  	s0 =	sor.u32 s3, s0;
	s1 =	sshll.u32 s1, $0x11  }
0xbb: {  	s0 =	sor.u32 s1, s0  }
0xbc: {  	s0 =	sadd.s32 $0x8F2B, s0  }
0xbd: {  	[sflag:s0] =	ssyncadd.remote.s32 $0x1  }
0xbe: {  	_ =	sfence.sel $0xFFFF  }
0xbf: {  	[dreg:$0x0] =	wrdreg $0xFFFFFFFF;
	(pc) =	sbr.abs _section_cstart, $3  }
0xc0: {  	[dreg:$0x1] =	wrdreg $0xFFFFFFFF  }
0xc1: {  	_ =	task.clear_ibuf [dreg:s7], $0x2FFFF;
	_ =	strace $0x9FFFFFFF  }
0xc2: {  	(tm) =	ssettm $0x7FFFFFFF  }
0xc3: {  	_ =	shalt  }
tec
execute0_lowered:
.L_overlay_start_1:
0x0: {  	(tag) =	ssettag $0x1  }
0x1: {  	s0 =	srdreg.scid;
	s1 =	rddreg [dreg:$0x0]  }
0x2: {  	s7 =	stileid.u32;
	s5 =	rddreg [dreg:$0x1]  }
0x3: {  	s8 =	simm.s32 $0x9;
	s9 =	simm.s32 $0xC80;
	s10 =	simm.s32 $0xC8  }
0x4: {  	s11 =	simm.s32 $0x1900;
	s12 =	simm.s32 $0x4B00;
	s13 =	simm.s32 $0x7D00  }
0x5: {  	s15 =	simm.s32 $0xAF00;
	s17 =	simm.s32 $0xE100;
	s19 =	simm.s32 $0x11300  }
0x6: {  	s21 =	simm.s32 $0x14500;
	s23 =	simm.s32 $0x17700;
	s28 =	simm.s32 $0x2  }
0x7: {  	s29 =	simm.s32 $0x3;
	s30 =	simm.s32 $0x4;
	s31 =	simm.s32 $0x5  }
0x8: {  	s0 =	sand.u32 $0x1, s0;
	s2 =	sshll.u32 s7, $0x1;
	s7 =	smul.u32 $0x19000, s7  }
0x9: {  	s3 =	sor.u32 s0, s2;
	s4 =	ssub.s32 $0x2, s0;
	s0 =	smul.u32 $0xC800, s0  }
0xa: {  	s14 =	simm.s32 $0x0;
	s2 =	simm.s32 $0x0;
	s3 =	smul.u32 $0xC80, s3  }
0xb: {  	[smem:$0x7FF] =	sst s2;
	s24 =	sshrl.u32 s4, $0x1;
	s7 =	sadd.s32 s7, s5  }
0xc: {  	_ =	strace $0x80000047;
	s0 =	sadd.s32 s0, s7;
	s3 =	sshrl.u32 s3, $0x3  }
.Ltmp0:
0xd: {  	s16 =	sadd.s32 $0x2588, s0;
	s0 =	simm.s32 $0x8;
	(pc) =	sbr.rel .LBB2_1-.Ltmp0, $4  }
0xe: {  	s6 =	sadd.s32 s3, s1;
	s3 =	sadd.s32 $0x8800, s1;
	s1 =	ssub.s32 s4, s24  }
0xf: {  	s24 =	simm.s32 $0x1;
	s25 =	sadd.s32 $0x2400, s6;
	s26 =	sadd.s32 $0x5600, s6  }
0x10: {  	s6 =	smax.u32 s1, $0x1;
	s1 =	simm.s32 $0x7;
	[dreg:$0x3] =	wrdreg s25  }
0x11: {  	[dreg:$0x4] =	wrdreg s26;
	s25 =	simm.s32 $0x40;
	s26 =	simm.s32 $0x80  }
.LBB2_4:
0x12: {  	s14 =	sadd.s32 $0x1, s14  }
0x13: {  	_ =	swait.ge [sflag:s0], $0x3200;
	p0 =	sne.s32 s14, s6  }
.Ltmp1:
0x14: {  	[sflag:s0] =	ssyncset.done $0x0;
	(pc) =	sbr.rel @!p0 .LBB2_5-.Ltmp1, $4  }
0x15: {  	[sflag:s0] =	ssyncadd.s32 $0xFFFFCE00  }
0x16: {  	_ =	swait.ge [sflag:s0], $0x3200  }
0x17: {  	[sflag:s0] =	ssyncset.done $0x0  }
0x18: {  	[sflag:s0] =	ssyncadd.s32 $0xFFFFCE00  }
.LBB2_1:
0x19: {  	s4 =	rddreg [dreg:$0x3]  }
0x1a: {  	[tilespmem:s2], [sflag:$0x9] =	stream.linear.gather [hbm4b:s4+s2], $0xC80, $0x38;
	[tilespmem:$0x1A900] =	vst v63  }
0x1b: {  	_ =	swait.ge [sflag:s8], $0xC80  }
0x1c: {  	[sflag:s8] =	ssyncset.done $0x0  }
0x1d: {  	s22 =	rddreg [dreg:$0x4];
	[sflag:s8] =	ssyncadd.s32 $0xFFFFF380  }
0x1e: {  	[tilespmem:s9], [sflag:$0x9] =	stream.linear.gather [hbm4b:s22+s2], $0xC80, $0x38;
	[tilespmem:$0x1A900] =	vst v63  }
0x1f: {  	_ =	swait.ge [sflag:s8], $0xC80  }
0x20: {  	[sflag:s8] =	ssyncset.done $0x0  }
0x21: {  	[sflag:s8] =	ssyncadd.s32 $0xFFFFF380  }
0x22: {  	[tilespmem:s11], [sflag:$0x1] =	stream.indirect.gather [hbm4b:s3+s10], $0x40, s2, s10, $0xb8;
	[tilespmem:$0x1A900] =	vst v63  }
0x23: {  	_ = 	snop  }
0x24: {  	[tilespmem:s12], [sflag:$0x1] =	stream.indirect.gather [hbm4b:s3+s10], $0x40, s9, s10, $0xb8;
	[tilespmem:$0x1A900] =	vst v63  }
0x25: {  	_ = 	snop  }
0x26: {  	[tilespmem:s13], [sflag:$0x2] =	stream.indirect.gather [hbm4b:s3+s10], $0x40, s10, s10, $0xb8;
	[tilespmem:$0x1A900] =	vst v63  }
0x27: {  	s5 =	simm.s32 $0xD48  }
0x28: {  	[tilespmem:s15], [sflag:$0x2] =	stream.indirect.gather [hbm4b:s3+s10], $0x40, s5, s10, $0xb8;
	[tilespmem:$0x1A900] =	vst v63  }
0x29: {  	s7 =	simm.s32 $0x190  }
0x2a: {  	[tilespmem:s17], [sflag:$0x3] =	stream.indirect.gather [hbm4b:s3+s10], $0x40, s7, s10, $0xb8;
	[tilespmem:$0x1A900] =	vst v63  }
0x2b: {  	s18 =	simm.s32 $0xE10  }
0x2c: {  	[tilespmem:s19], [sflag:$0x3] =	stream.indirect.gather [hbm4b:s3+s10], $0x40, s18, s10, $0xb8;
	[tilespmem:$0x1A900] =	vst v63  }
0x2d: {  	s20 =	simm.s32 $0x258  }
0x2e: {  	[tilespmem:s21], [sflag:$0x4] =	stream.indirect.gather [hbm4b:s3+s10], $0x40, s20, s10, $0xb8;
	[tilespmem:$0x1A900] =	vst v63  }
0x2f: {  	s22 =	simm.s32 $0xED8;
	s7 =	smov.u32 s16;
	s18 =	simm.s32 $0x0  }
0x30: {  	[tilespmem:s23], [sflag:$0x4] =	stream.indirect.gather [hbm4b:s3+s10], $0x40, s22, s10, $0xb8;
	[tilespmem:$0x1A900] =	vst v63  }
.LBB2_2:
0x31: {  	_ =	swait.ge [sflag:s24], $0x3200  }
0x32: {  	[sflag:s24] =	ssyncset.done $0x0  }
0x33: {  	[sflag:s24] =	ssyncadd.s32 $0xFFFFCE00  }
0x34: {  	_ =	swait.ge [sflag:s24], $0x3200  }
0x35: {  	[sflag:s24] =	ssyncset.done $0x0  }
0x36: {  	s20 =	sadd.s32 $0xFFFFDA78, s7;
	[sflag:s24] =	ssyncadd.s32 $0xFFFFCE00  }
0x37: {  	[hbm4b:s20+s25] =	stream.strided.scatter [tilespmem:s11], [sflag:$0x5], $0x3200, s26, s25, $0x38;
	[tilespmem:$0x1A900] =	vst v63  }
0x38: {  	s4 =	sadd.s32 $0xFFFFDA80, s7  }
0x39: {  	[hbm4b:s4+s25] =	stream.strided.scatter [tilespmem:s12], [sflag:$0x5], $0x3200, s26, s25, $0x38;
	[tilespmem:$0x1A900] =	vst v63  }
0x3a: {  	_ =	swait.ge [sflag:s28], $0x3200  }
0x3b: {  	[sflag:s28] =	ssyncset.done $0x0  }
0x3c: {  	[sflag:s28] =	ssyncadd.s32 $0xFFFFCE00  }
0x3d: {  	_ =	swait.ge [sflag:s28], $0x3200  }
0x3e: {  	[sflag:s28] =	ssyncset.done $0x0  }
0x3f: {  	s5 =	sadd.s32 $0xFFFFE6F8, s7;
	[sflag:s28] =	ssyncadd.s32 $0xFFFFCE00  }
0x40: {  	[hbm4b:s5+s25] =	stream.strided.scatter [tilespmem:s13], [sflag:$0x6], $0x3200, s26, s25, $0x38;
	[tilespmem:$0x1A900] =	vst v63  }
0x41: {  	s22 =	sadd.s32 $0xFFFFE700, s7  }
0x42: {  	[hbm4b:s22+s25] =	stream.strided.scatter [tilespmem:s15], [sflag:$0x6], $0x3200, s26, s25, $0x38;
	[tilespmem:$0x1A900] =	vst v63  }
0x43: {  	_ =	swait.ge [sflag:s29], $0x3200  }
0x44: {  	[sflag:s29] =	ssyncset.done $0x0  }
0x45: {  	[sflag:s29] =	ssyncadd.s32 $0xFFFFCE00  }
0x46: {  	_ =	swait.ge [sflag:s29], $0x3200  }
0x47: {  	[sflag:s29] =	ssyncset.done $0x0  }
0x48: {  	s4 =	sadd.s32 $0xFFFFF378, s7;
	[sflag:s29] =	ssyncadd.s32 $0xFFFFCE00  }
0x49: {  	[hbm4b:s4+s25] =	stream.strided.scatter [tilespmem:s17], [sflag:$0x7], $0x3200, s26, s25, $0x38;
	[tilespmem:$0x1A900] =	vst v63  }
0x4a: {  	s5 =	sadd.s32 $0xFFFFF380, s7  }
0x4b: {  	[hbm4b:s5+s25] =	stream.strided.scatter [tilespmem:s19], [sflag:$0x7], $0x3200, s26, s25, $0x38;
	[tilespmem:$0x1A900] =	vst v63  }
0x4c: {  	_ =	swait.ge [sflag:s30], $0x3200  }
0x4d: {  	[sflag:s30] =	ssyncset.done $0x0  }
0x4e: {  	[sflag:s30] =	ssyncadd.s32 $0xFFFFCE00  }
0x4f: {  	_ =	swait.ge [sflag:s30], $0x3200  }
0x50: {  	[sflag:s30] =	ssyncset.done $0x0  }
0x51: {  	s22 =	sadd.s32 $0xFFFFFFF8, s7;
	[sflag:s30] =	ssyncadd.s32 $0xFFFFCE00  }
0x52: {  	[hbm4b:s22+s25] =	stream.strided.scatter [tilespmem:s21], [sflag:$0x8], $0x3200, s26, s25, $0x38;
	[tilespmem:$0x1A900] =	vst v63  }
0x53: {  	_ = 	snop  }
0x54: {  	[hbm4b:s7+s25] =	stream.strided.scatter [tilespmem:s23], [sflag:$0x8], $0x3200, s26, s25, $0x38;
	[tilespmem:$0x1A900] =	vst v63  }
0x55: {  	_ =	swait.ge [sflag:s31], $0x3200  }
0x56: {  	[sflag:s31] =	ssyncset.done $0x0  }
0x57: {  	[sflag:s31] =	ssyncadd.s32 $0xFFFFCE00  }
0x58: {  	_ =	swait.ge [sflag:s31], $0x3200  }
0x59: {  	p0 =	seq.s32 s18, $0x2580;
	[sflag:s31] =	ssyncset.done $0x0  }
0x5a: {  	s20 =	simm.s32 @p0 $0x6;
	[sflag:s31] =	ssyncadd.s32 $0xFFFFCE00  }
0x5b: {  	_ =	swait.ge @p0 [sflag:s20], $0x3200  }
0x5c: {  	[sflag:s20] =	ssyncset.done @p0 $0x0  }
0x5d: {  	[sflag:s20] =	ssyncadd.s32 @p0 $0xFFFFCE00  }
0x5e: {  	_ =	swait.ge @p0 [sflag:s20], $0x3200  }
0x5f: {  	[sflag:s20] =	ssyncset.done @p0 $0x0  }
0x60: {  	[sflag:s20] =	ssyncadd.s32 @p0 $0xFFFFCE00;
	s20 =	sshra.s32 @!p0 s18, $0x2  }
0x61: {  	s4 =	simm.s32 @!p0 $0xC8;
	s5 =	simm.s32 @!p0 $0x1900;
	s22 =	sadd.s32 @!p0 $0x320, s20  }
0x62: {  	[tilespmem:s5], [sflag:$0x1] =	stream.indirect.gather @!p0 [hbm4b:s3+s4], $0x40, s22, s4, $0xb8;
	[tilespmem:$0x1A900] =	vst v63  }
0x63: {  	s5 =	sadd.s32 @!p0 $0xFA0, s20;
	s22 =	simm.s32 @!p0 $0x4B00  }
0x64: {  	[tilespmem:s22], [sflag:$0x1] =	stream.indirect.gather @!p0 [hbm4b:s3+s4], $0x40, s5, s4, $0xb8;
	[tilespmem:$0x1A900] =	vst v63  }
0x65: {  	s5 =	simm.s32 @!p0 $0x6  }
0x66: {  	_ =	swait.ge @!p0 [sflag:s5], $0x3200  }
0x67: {  	[sflag:s5] =	ssyncset.done @!p0 $0x0  }
0x68: {  	[sflag:s5] =	ssyncadd.s32 @!p0 $0xFFFFCE00  }
0x69: {  	_ =	swait.ge @!p0 [sflag:s5], $0x3200  }
0x6a: {  	[sflag:s5] =	ssyncset.done @!p0 $0x0  }
0x6b: {  	s22 =	simm.s32 @!p0 $0x7D00;
	[sflag:s5] =	ssyncadd.s32 @!p0 $0xFFFFCE00;
	s5 =	sadd.s32 @!p0 $0x3E8, s20  }
0x6c: {  	[tilespmem:s22], [sflag:$0x2] =	stream.indirect.gather @!p0 [hbm4b:s3+s4], $0x40, s5, s4, $0xb8;
	[tilespmem:$0x1A900] =	vst v63  }
0x6d: {  	s5 =	sadd.s32 @!p0 $0x1068, s20;
	s20 =	simm.s32 @!p0 $0xAF00  }
0x6e: {  	[tilespmem:s20], [sflag:$0x2] =	stream.indirect.gather @!p0 [hbm4b:s3+s4], $0x40, s5, s4, $0xb8;
	[tilespmem:$0x1A900] =	vst v63  }
0x6f: {  	_ =	swait.ge [sflag:s1], $0x3200  }
.Ltmp2:
0x70: {  	[sflag:s1] =	ssyncset.done $0x0;
	(pc) =	sbr.rel @p0 .LBB2_4-.Ltmp2, $4  }
0x71: {  	[sflag:s1] =	ssyncadd.s32 $0xFFFFCE00  }
0x72: {  	_ =	swait.ge [sflag:s1], $0x3200  }
0x73: {  	[sflag:s1] =	ssyncset.done $0x0  }
0x74: {  	[sflag:s1] =	ssyncadd.s32 $0xFFFFCE00  }
0x75: {  	s4 =	sshra.s32 s18, $0x2  }
0x76: {  	s5 =	sadd.s32 $0x4B0, s4  }
0x77: {  	[tilespmem:s17], [sflag:$0x3] =	stream.indirect.gather [hbm4b:s3+s10], $0x40, s5, s10, $0xb8;
	[tilespmem:$0x1A900] =	vst v63  }
0x78: {  	s20 =	sadd.s32 $0x1130, s4  }
0x79: {  	[tilespmem:s19], [sflag:$0x3] =	stream.indirect.gather [hbm4b:s3+s10], $0x40, s20, s10, $0xb8;
	[tilespmem:$0x1A900] =	vst v63  }
0x7a: {  	_ =	swait.ge [sflag:s0], $0x3200  }
0x7b: {  	[sflag:s0] =	ssyncset.done $0x0  }
0x7c: {  	[sflag:s0] =	ssyncadd.s32 $0xFFFFCE00  }
0x7d: {  	_ =	swait.ge [sflag:s0], $0x3200  }
.Ltmp3:
0x7e: {  	[sflag:s0] =	ssyncset.done $0x0;
	(pc) =	sbr.rel .LBB2_2-.Ltmp3, $4  }
0x7f: {  	s22 =	sadd.s32 $0x578, s4;
	[sflag:s0] =	ssyncadd.s32 $0xFFFFCE00  }
0x80: {  	[tilespmem:s21], [sflag:$0x4] =	stream.indirect.gather [hbm4b:s3+s10], $0x40, s22, s10, $0xb8;
	[tilespmem:$0x1A900] =	vst v63  }
0x81: {  	s18 =	sadd.s32 $0xC80, s18;
	s7 =	sadd.s32 $0x3200, s7;
	s4 =	sadd.s32 $0x11F8, s4  }
0x82: {  	[tilespmem:s23], [sflag:$0x4] =	stream.indirect.gather [hbm4b:s3+s10], $0x40, s4, s10, $0xb8;
	[tilespmem:$0x1A900] =	vst v63  }
.LBB2_5:
0x83: {  	_ =	sfence.sel $0x180000  }
0x84: {  	[bflag:$0x0] =	sbarrier.arrive $0xFFFF  }
0x85: {  	_ =	strace $0x90000047  }
0x86: {  	s0 =	stileid.u32;
	[bflag:$0x2] =	sbarrier.arrive $0xFFFF  }
0x87: {  	p0 =	sne.s32 s0, $0x0;
	s0 =	rddreg [dreg:$0x2]  }
0x88: {  	s0 =	sadd.s32 @!p0 $0x100000, s0  }
0x89: {  	[sflag:s0] =	ssyncadd.tile.s32 @!p0 $0x1;
	_ =	shalt  }
.Lfunc_end2:
_tile_overlayer_lowered:
.L_overlay_start_2:
0x8a: {  	(tag) =	ssettag $0x2  }
0x8b: {  	s0 =	rddreg [dreg:$0x0];
	s2 =	stileid.u32  }
0x8c: {  	s1 =	rddreg [dreg:$0x1];
	p0 =	sne.s32 s2, $0x0  }
0x8d: {  	s3 =	rddreg [dreg:$0x2];
	[bflag:$0x3] =	sbarrier.arrive $0xFFFF;
	s2 =	simm.s32 @!p0 $0x1C09  }
0x8e: {  	[timem:s3], [sflag:s2] =	dma.local @!p0 [hbm:s0], s1  }
0x8f: {  	s0 =	simm.s32 @!p0 $0x9  }
0x90: {  	_ =	swait.ge @!p0 [sflag:s0], s1  }
0x91: {  	s1 =	ssub.s32 @!p0 $0x0, s1;
	[sflag:s0] =	ssyncset.done @!p0 $0x0  }
0x92: {  	[sflag:s0] =	ssyncadd.s32 @!p0 s1  }
0x93: {  	[bflag:$0x3] =	sbarrier.arrive $0xFFFF  }
0x94: {  	_ =	shalt  }

// kernel: sparse-core-data-format-call.cloned.1.call-start
scs
called_computation_lowered:
.L_overlay_start_0:
0x0: {  	s2 =	sld [smem:$0x3FD9]  }
0x1: {  	s3 =	sld [smem:$0x3FFE];
	_ =	sdelay $0x1  }
0x2: {  	s1 =	srdreg.scid  }
0x3: {  	s0 =	sand.u32 $0x1, s1  }
0x4: {  	s18 =	sshll.u32 s0, $0xA;
	s2 =	sadd.s32 s3, s2  }
0x5: {  	s2 =	sadd.s32 s2, s18  }
0x6: {  	[smem:$0x3FC6] =	sst s2  }
0x7: {  	_ = 	snop  }
0x8: {  	s2 =	sld [smem:$0x3FD0];
	(tm) =	ssettm $0x1  }
0x9: {  	s19 =	sld [smem:$0x3FFB];
	_ =	sdelay $0x3  }
0xa: {  	_ =	strace s19  }
0xb: {  	s3 =	sld [smem:$0x3FFC];
	_ =	sdelay $0x3  }
0xc: {  	_ =	strace s3  }
0xd: {  	s3 =	sld [smem:$0x3FFD];
	_ =	sdelay $0x3  }
0xe: {  	_ =	strace s3  }
0xf: {  	_ =	strace $0x8FFFFFFF  }
0x10: {  	s20 =	sld [smem:$0x3FDB];
	_ =	sdelay $0x1  }
0x11: {  	s4 =	simm.s32 $_scs_section_size  }
0x12: {  	s5 =	simm.s32 $_size__tile_overlayer_lowered;
	s6 =	simm.s32 $_tile_overlayer_lowered  }
0x13: {  	s23 =	simm.s32 $0x1BFF;
	s22 =	sshll.u32 s6, $0x1;
	s3 =	sadd.s32 s4, s20  }
0x14: {  	s7 =	simm.s32 $0x0;
	s21 =	sshll.u32 s5, $0x1;
	s5 =	sadd.s32 s22, s3  }
0x15: {  	[timem:s7], [sflag:s23] =	dma.local [hbm:s5], s21  }
0x16: {  	_ =	swait.ge [sflag:s23], s21  }
0x17: {  	s4 =	ssub.s32 $0x0, s21;
	[sflag:s23] =	ssyncset.done $0x0  }
0x18: {  	[sflag:s23] =	ssyncadd.s32 s4;
	_ =	sdelay $0x1  }
0x19: {  	s24 =	simm.s32 $0x1B8B  }
0x1a: {  	_ =	swait.ge [sflag:s24], $0x1  }
0x1b: {  	[sflag:s24] =	ssyncset.done $0x0  }
0x1c: {  	s26 =	simm.s32 $0x1B8E;
	s25 =	sld [smem:$0x3FFE];
	[sflag:s24] =	ssyncadd.s32 $0xFFFFFFFF  }
0x1d: {  	s27 =	simm.s32 $execute0_lowered;
	[smem:$0x3FD2] =	sst s26  }
0x1e: {  	s5 =	sshll.u32 s27, $0x1;
	_ =	strace $0x80000049;
	[dreg:$0x1] =	wrdreg $0xFFFFFFFF  }
0x1f: {  	s28 =	simm.s32 $_size_execute0_lowered;
	s3 =	sadd.s32 s3, s5;
	[dreg:$0x0] =	wrdreg $0x0  }
0x20: {  	s5 =	sshll.u32 s28, $0x1;
	[dreg:$0x2] =	wrdreg s3  }
0x21: {  	[dreg:$0x3] =	wrdreg s5  }
0x22: {  	[dreg:$0x4] =	wrdreg $0xC0  }
0x23: {  	_ =	task [dreg:s7], $0x5FFFF  }
0x24: {  	[dreg:$0x1] =	wrdreg $0xFFFFFFFF  }
0x25: {  	[dreg:$0x0] =	wrdreg $0x60  }
0x26: {  	[dreg:$0x2] =	wrdreg s25  }
0x27: {  	[dreg:$0x3] =	wrdreg s2  }
0x28: {  	[dreg:$0x4] =	wrdreg $0x9  }
0x29: {  	_ =	task.clear_ibuf [dreg:s7], $0x5FFFF;
	_ =	strace $0x90000049  }
0x2a: {  	s29 =	simm.s32 $0x9;
	_ =	strace $0x8000004B  }
0x2b: {  	_ =	swait.ge [sflag:s29], $0x1  }
0x2c: {  	[sflag:s29] =	ssyncadd.s32 $0xFFFFFFFF  }
0x2d: {  	_ =	strace $0x9000004B  }
0x2e: {  	_ =	sfence  }
0x2f: {  	s30 =	sld [smem:$0x0];
	_ =	sdelay $0x2  }
0x30: {  	s31 =	sshll.u32 s1, $0xD;
	s1 =	sshrl.u32 s1, $0x2  }
0x31: {  	s3 =	sand.u32 $0x4000, s31;
	s1 =	sadd.s32 s1, s30  }
0x32: {  	s0 =	sor.u32 s3, s0;
	s1 =	sshll.u32 s1, $0x11  }
0x33: {  	s0 =	sor.u32 s1, s0  }
0x34: {  	s0 =	sadd.s32 $0x8F2B, s0  }
0x35: {  	[sflag:s0] =	ssyncadd.remote.s32 $0x1  }
0x36: {  	_ =	sfence.sel $0xFFFF  }
0x37: {  	[dreg:$0x0] =	wrdreg $0xFFFFFFFF;
	(pc) =	sbr.abs _section_cstart, $3  }
0x38: {  	[dreg:$0x1] =	wrdreg $0xFFFFFFFF  }
0x39: {  	_ =	task.clear_ibuf [dreg:s7], $0x2FFFF;
	_ =	strace $0x9FFFFFFF  }
0x3a: {  	(tm) =	ssettm $0x7FFFFFFF  }
0x3b: {  	_ =	shalt  }
tec
execute0_lowered:
.L_overlay_start_1:
0x0: {  	(tag) =	ssettag $0x1  }
0x1: {  	s0 =	srdreg.scid  }
0x2: {  	s1 =	sshll.u32 s0, $0x4  }
0x3: {  	s0 =	stileid.u32;
	s1 =	sand.u32 $0x10, s1  }
0x4: {  	s1 =	sor.u32 s0, s1  }
0x5: {  	s6 =	rddreg [dreg:$0x0];
	s4 =	simm.s32 $0x1;
	s2 =	sshll.u32 s1, $0x7  }
0x6: {  	s7 =	simm.s32 $0x2;
	s12 =	simm.s32 $0x0;
	s1 =	ssub.s32 $0x1000, s2  }
0x7: {  	s8 =	simm.s32 $0x8000;
	s13 =	simm.s32 $0x0;
	s3 =	sand.u32 $0xF80, s1  }
0x8: {  	s9 =	simm.s32 $0x0;
	s5 =	sshrl.u32 s1, $0xC;
	p0 =	sne.s32 s3, $0x0  }
.Ltmp0:
0x9: {  	s1 =	rddreg [dreg:$0x2];
	s4 =	simm.s32 @!p0 $0x0;
	(pc) =	sbr.rel .LBB1_1-.Ltmp0, $4  }
0xa: {  	s11 =	simm.s32 $0x0;
	s3 =	rddreg [dreg:$0x1];
	s5 =	sadd.s32 s4, s5  }
0xb: {  	_ =	strace $0x8000004A;
	s4 =	simm.s32 $0x1;
	s5 =	smul.u32 $0x32, s5  }
0xc: {  	s6 =	sadd.s32 $0x2400, s6;
	s10 =	smov.u32 s2;
	[sflag:s4] =	ssyncpa.u1 $0x0  }
0xd: {  	p0 =	por $0x0, $0x0;
	[sflag:s7] =	ssyncpa.u1 $0x0;
	s7 =	sor.u32 $0x1, s5  }
.LBB1_4:
0xe: {  	s16 =	sshll.u32 s13, $0x3;
	s17 =	sand.u32 $0x78, s13  }
0xf: {  	s30 =	sand.u32 $0x7E00, s13;
	s12 =	sshll.u32 s12, $0xF;
	s16 =	sand.u32 $0xC00, s16  }
0x10: {  	[tilespmem:s15+$0x810 ss:$0x81] =	vst.msk $0xffff, v2;
	s31 =	sand.u32 $0x7, s13;
	s16 =	sor.u32 s17, s16;
	s17 =	sadd.s32 s3, s30  }
0x11: {  	[tilespmem:s15+$0x1020 ss:$0x81] =	vst.msk $0xffff, v0;
	s13 =	sshll.u32 s31, $0x12;
	s12 =	sadd.s32 s12, s17;
	s16 =	sshrl.u32 s16, $0x3  }
0x12: {  	[tilespmem:s15+$0x0 ss:$0x81] =	vst.msk $0xffff, v1;
	s13 =	sor.u32 $0x400, s13;
	s12 =	sadd.s32 s16, s12  }
0x13: {  	[hbm4b:s12+s13] =	stream.strided.scatter [tilespmem:s14], [sflag:$0x2], $0x2000, s8, s13, $0x20;
	[tilespmem:$0x8080] =	vst v63  }
.LBB1_5:
0x14: {  	s14 =	sadd.s32 $0x1, s9  }
0x15: {  	s12 =	sadd.s32 $0x1000, s10;
	s16 =	smov.u32 s10;
	p2 =	sgt.s32 s14, $0x31  }
0x16: {  	s16 =	smov.u32 @p2 s12  }
0x17: {  	s14 =	simm.s32 @p2 $0x0;
	p2 =	sgt.s32 s16, $0xFFF  }
0x18: {  	s16 =	smov.u32 @p2 s2;
	p2 =	sne.s32 s11, s7  }
.Ltmp1:
0x19: {  	p1 =	slt.u32 s11, $0x2;
	(pc) =	sbr.rel @!p2 .LBB1_6-.Ltmp1, $4  }
0x1a: {  	s15 =	simm.s32 @!p1 $0x2  }
0x1b: {  	s13 =	smov.u32 s10;
	p0 =	por !p0, !p0;
	_ =	swait.ge @!p1 [sflag:s15], $0x2000  }
0x1c: {  	s12 =	smov.u32 s9;
	[sflag:s15] =	ssyncset.done @!p1 $0x0;
	s9 =	smov.u32 s14  }
0x1d: {  	s11 =	sadd.s32 $0x1, s11;
	[sflag:s15] =	ssyncadd.s32 @!p1 $0xFFFFE000;
	s10 =	smov.u32 s16  }
.LBB1_1:
0x1e: {  	p1 =	sge.u32 s11, s5  }
0x1f: {  	s14 =	sand.u32 @!p1 $0x1FFFFFF, s9  }
0x20: {  	s15 =	smulhi.u32 @!p1 $0x4924925, s14;
	_ =	sdelay $0x1  }
0x21: {  	s15 =	smul.u32 @!p1 $0x38, s15  }
0x22: {  	s16 =	sxor.u32 @!p1 $0xFFFFFFFF, s11;
	s17 =	smul.u32 @!p1 $0x380, s10  }
0x23: {  	s31 =	sadd.s32 $0xFFFFFFFF, s11;
	s16 =	sshll.u32 @!p1 s16, $0xD;
	s14 =	ssub.s32 @!p1 s14, s15  }
0x24: {  	s15 =	sand.u32 @!p1 $0x2000, s16;
	s16 =	sadd.s32 @!p1 s6, s17;
	s14 =	sshll.u32 @!p1 s14, $0x4  }
0x25: {  	s17 =	simm.s32 @!p1 $0x1C00;
	s14 =	sadd.s32 @!p1 s14, s16;
	s16 =	simm.s32 @!p1 $0x40  }
0x26: {  	[tilespmem:s15], [sflag:$0x1] =	stream.strided.gather @!p1 [hbm4b:s14+s16], $0x2000, s17, s16, $0x38;
	[tilespmem:$0x8080] =	vst v63  }
0x27: {  	p1 =	sge.u32 s31, s5  }
.Ltmp2:
0x28: {  	_ = 	snop;
	(pc) =	sbr.rel @p1 .LBB1_5-.Ltmp2, $1  }
0x29: {  	_ =	sdelay $0x3  }
0x2a: {  	s14 =	simm.s32 $0x1  }
0x2b: {  	_ =	swait.ge [sflag:s4], $0x2000;
	s14 =	simm.s32 @!p0 $0x0  }
0x2c: {  	[sflag:s4] =	ssyncset.done $0x0;
	s15 =	sshll.u32 s14, $0xD  }
0x2d: {  	[sflag:s4] =	ssyncadd.s32 $0xFFFFE000;
	s18 =	sor.u32 $0x20, s15  }
0x2e: {  	s14 =	smul.u32 $0x8100, s14;
	v3 =	vld [tilespmem:s18+$0x10]  }
0x2f: {  	s30 =	sand.u32 $0x1, s11;
	v2 =	vld [tilespmem:s18+$0xFFFFFFF0]  }
0x30: {  	s15 =	smul.u32 $0x8100, s30;
	s14 =	sshrl.u32 s14, $0x2;
	v0 =	vld [tilespmem:s18+$0x0]  }
0x31: {  	v1 =	vld [tilespmem:s18+$0xFFFFFFE0];
	s16 =	sor.u32 $0x4000, s14  }
0x32: {  	s31 =	sshrl.u32 s15, $0x2;
	s15 =	sadd.s32 $0x0, s16  }
0x33: {  	s17 =	simm.s32 $0x4;
	s18 =	sadd.s32 $0x40, s18;
	s14 =	sor.u32 $0x4000, s31;
	[tilespmem:s15+$0x1830 ss:$0x81] =	vst.msk $0xffff, v3  }
.LBB1_3:
0x34: {  	v3 =	vld [tilespmem:s18+$0x10];
	p1 =	sne.s32 s17, $0x1FC;
	[tilespmem:s15+$0x810 ss:$0x81] =	vst.msk $0xffff, v2;
	s19 =	smov.u32 s17;
	s17 =	sadd.s32 $0x4, s17  }
.Ltmp3:
0x35: {  	v2 =	vld [tilespmem:s18+$0xFFFFFFF0];
	[tilespmem:s15+$0x1020 ss:$0x81] =	vst.msk $0xffff, v0;
	(pc) =	sbr.rel @p1 .LBB1_3-.Ltmp3, $4  }
0x36: {  	v0 =	vld [tilespmem:s18+$0x0];
	[tilespmem:s15+$0x0 ss:$0x81] =	vst.msk $0xffff, v1  }
0x37: {  	s15 =	sshra.s32 s19, $0x2;
	v1 =	vld [tilespmem:s18+$0xFFFFFFE0]  }
0x38: {  	s15 =	sadd.s32 s15, s16  }
0x39: {  	s18 =	sadd.s32 $0x40, s18;
	[tilespmem:s15+$0x1830 ss:$0x81] =	vst.msk $0xffff, v3  }
.Ltmp4:
0x3a: {  	_ = 	snop;
	(pc) =	sbr.rel .LBB1_4-.Ltmp4, $1  }
0x3b: {  	_ =	sdelay $0x3  }
.LBB1_6:
0x3c: {  	_ =	sfence.sel $0x180000  }
0x3d: {  	s2 =	simm.s32 $0x1;
	[bflag:$0x0] =	sbarrier.arrive $0xFFFF  }
0x3e: {  	s31 =	simm.s32 $0x2;
	[sflag:s2] =	ssyncpa.u1 $0x1  }
0x3f: {  	[sflag:s31] =	ssyncpa.u1 $0x1  }
0x40: {  	p0 =	sne.s32 s0, $0x0;
	_ =	strace $0x9000004A  }
0x41: {  	s0 =	sadd.s32 @!p0 $0x100000, s1;
	[bflag:$0x2] =	sbarrier.arrive $0xFFFF  }
0x42: {  	[sflag:s0] =	ssyncadd.tile.s32 @!p0 $0x1;
	_ =	shalt  }
.Lfunc_end1:
_tile_overlayer_lowered:
.L_overlay_start_2:
0x43: {  	(tag) =	ssettag $0x2  }
0x44: {  	s0 =	rddreg [dreg:$0x0];
	s2 =	stileid.u32  }
0x45: {  	s1 =	rddreg [dreg:$0x1];
	p0 =	sne.s32 s2, $0x0  }
0x46: {  	s3 =	rddreg [dreg:$0x2];
	[bflag:$0x3] =	sbarrier.arrive $0xFFFF;
	s2 =	simm.s32 @!p0 $0x1C01  }
0x47: {  	[timem:s3], [sflag:s2] =	dma.local @!p0 [hbm:s0], s1  }
0x48: {  	s0 =	simm.s32 @!p0 $0x1  }
0x49: {  	_ =	swait.ge @!p0 [sflag:s0], s1  }
0x4a: {  	s1 =	ssub.s32 @!p0 $0x0, s1;
	[sflag:s0] =	ssyncset.done @!p0 $0x0  }
0x4b: {  	[sflag:s0] =	ssyncadd.s32 @!p0 s1  }
0x4c: {  	[bflag:$0x3] =	sbarrier.arrive $0xFFFF  }
0x4d: {  	_ =	shalt  }

</sc_bundles>
